<compile_context>
chip_gen: v7x
topology: tpu7x:2x2x1
jax: 0.10.2.dev20260603
libtpu: 0.0.44.dev20260713+nightly
codegen_flags: <defaults>
</compile_context>

<pallas_src>
import functools

import jax
import jax.numpy as jnp
from jax import lax
from jax.experimental import pallas as pl
from jax.experimental.pallas import tpu as pltpu
from jax.experimental.pallas import tpu_sc as plsc

_NUM_WORKERS = 32
_CHUNK = 400
_NBUF = 4
_GLAG = 2


def kernel(x, table):
    batch, seq = x.shape
    _, d_model = table.shape
    n = batch * seq
    idx = x.reshape(n).astype(jnp.int32)

    per_worker = n // _NUM_WORKERS
    n_chunks = per_worker // _CHUNK
    assert per_worker * _NUM_WORKERS == n and n_chunks * _CHUNK == per_worker
    assert n_chunks % _NBUF == 0 and n_chunks > 2 * _NBUF

    mesh = plsc.VectorSubcoreMesh(core_axis_name="c", subcore_axis_name="s")

    @functools.partial(
        pl.kernel,
        out_type=jax.ShapeDtypeStruct((n, d_model), jnp.float32),
        mesh=mesh,
        compiler_params=pltpu.CompilerParams(use_tc_tiling_on_sc=False),
        scratch_types=[
            pltpu.VMEM((per_worker,), jnp.int32),
            pltpu.VMEM((_NBUF, _CHUNK, d_model), jnp.float32),
            pltpu.SemaphoreType.DMA((_NBUF,)),
            pltpu.SemaphoreType.DMA((_NBUF,)),
        ],
    )
    def emb(idx_hbm, table_hbm, out_hbm, idx_v, rows_v, gsem, osem):
        wid = lax.axis_index("s") * 2 + lax.axis_index("c")
        base = wid * per_worker

        def gather_desc(c, b):
            idx_slice = idx_v.at[pl.ds(c * _CHUNK, _CHUNK)]
            return pltpu.make_async_copy(
                table_hbm.at[idx_slice], rows_v.at[b], gsem.at[b])

        def write_desc(c, b):
            dst = out_hbm.at[pl.ds(base + c * _CHUNK, _CHUNK)]
            return pltpu.make_async_copy(rows_v.at[b], dst, osem.at[b])

        pltpu.sync_copy(idx_hbm.at[pl.ds(base, per_worker)], idx_v)

        for c in range(_GLAG):
            gather_desc(c, c % _NBUF).start()

        for w in range(_GLAG):
            gather_desc(w, w % _NBUF).wait()
            write_desc(w, w % _NBUF).start()
            ng = w + _GLAG
            gather_desc(ng, ng % _NBUF).start()

        @pl.loop(_GLAG, n_chunks - _GLAG, step=_NBUF)
        def _(g):
            for b in range(_NBUF):
                w = g + b
                bw = (_GLAG + b) % _NBUF
                gather_desc(w, bw).wait()
                write_desc(w, bw).start()
                ng = w + _GLAG
                bg = (2 * _GLAG + b) % _NBUF
                write_desc(ng - _NBUF, bg).wait()
                gather_desc(ng, bg).start()

        for w in range(n_chunks - _GLAG, n_chunks):
            gather_desc(w, w % _NBUF).wait()
            write_desc(w, w % _NBUF).start()

        for w in range(n_chunks - _NBUF, n_chunks):
            write_desc(w, w % _NBUF).wait()

    out = emb(idx, table)
    return out.reshape(batch, seq, d_model)

# --- scband reference (transcript-rebuilt; emitter-appended) ---
"""Pipeline reference for scband-transformer-embedding-65103114273197 (READ-ONLY COPY).

The authoritative reference and input builder live on the scoring server;
editing this copy changes nothing except your own understanding.
"""

import jax, jax.numpy as jnp
import numpy as np

VOCAB = 1000000
D_MODEL = 64
BATCH = 4096
SEQ = 200


def setup_inputs(seed: int = 0) -> dict:
    key = jax.random.key(seed)
    k1, k2 = jax.random.split(key)
    x = jax.random.randint(k1, (BATCH, SEQ), 0, VOCAB)
    table = jax.random.normal(k2, (VOCAB, D_MODEL), dtype=jnp.float32)
    # padding_idx=0: row 0 is zero-initialized in nn.Embedding
    table = table.at[0].set(0.0)
    return {"x": x, "table": table}


def reference(x, table):
    # tok_emb = self.tok_emb(x)  -> embedding gather
    tok_emb = jnp.take(table, x, axis=0)
    # self.drop_out(tok_emb) is identity in eval/inference mode
    return tok_emb

if __name__ == "__main__":
    import jax
    _d = setup_inputs()
    print(jax.jit(kernel)(*tuple(_d.values())))

</pallas_src>

<mosaic_0001>
#map = affine_map<(d0, d1) -> (0)>
#map1 = affine_map<(d0, d1) -> (0, 0)>
module attributes {stable_mosaic.version = 14 : i64} {
  func.func @emb(%arg0: i32, %arg1: i32, %arg2: memref<819200xi32, #tpu.memory_space<hbm>>, %arg3: memref<1000000x64xf32, #tpu.memory_space<hbm>>, %arg4: memref<819200x64xf32, #tpu.memory_space<hbm>>, %arg5: memref<25600xi32, #tpu.memory_space<vmem>>, %arg6: memref<4x400x64xf32, #tpu.memory_space<vmem>>, %arg7: memref<4x!tpu.dma_semaphore, #tpu.memory_space<semaphore_mem>>, %arg8: memref<4x!tpu.dma_semaphore, #tpu.memory_space<semaphore_mem>>) attributes {dimension_semantics = [#tpu.dimension_semantics<core_parallel>, #tpu.dimension_semantics<subcore_parallel>], iteration_bounds = array<i64: 2, 16>, scalar_prefetch = 0 : i64, scratch_operands = 4 : i64, tpu.core_type = #tpu.core_type<sc_vector_subcore>, window_params = [{transform_indices = #map}, {transform_indices = #map1}, {transform_indices = #map1}]} {
    %mul3A = arith.constant 2 : i32
    %mul3A_0 = arith.muli %arg1, %mul3A : i32
    %add3A = arith.addi %mul3A_0, %arg0 : i32
    %mul3A_1 = arith.constant 25600 : i32
    %mul3A_2 = arith.muli %add3A, %mul3A_1 : i32
    "tpu.region"() ({
      %run_scoped3A = tpu.sem_alloc : memref<!tpu.dma_semaphore, #tpu.memory_space<semaphore_mem>>
      %dma_start3A_253 = tpu.memref_slice %arg2[%mul3A_2] : memref<819200xi32, #tpu.memory_space<hbm>> -> memref<25600xi32, #tpu.memory_space<hbm>>
      %dma_start3A_254 = tpu.memref_slice %arg2[%mul3A_2] : memref<819200xi32, #tpu.memory_space<hbm>> -> memref<25600xi32, #tpu.memory_space<hbm>>
      tpu.enqueue_dma source(%dma_start3A_254 : memref<25600xi32, #tpu.memory_space<hbm>>) target(%arg5 : memref<25600xi32, #tpu.memory_space<vmem>>) target_semaphore(%run_scoped3A : memref<!tpu.dma_semaphore, #tpu.memory_space<semaphore_mem>>)
      %dma_wait3A_255 = tpu.memref_slice %arg2[%mul3A_2] : memref<819200xi32, #tpu.memory_space<hbm>> -> memref<25600xi32, #tpu.memory_space<hbm>>
      %dma_wait3A_256 = tpu.memref_slice %arg2[%mul3A_2] : memref<819200xi32, #tpu.memory_space<hbm>> -> memref<25600xi32, #tpu.memory_space<hbm>>
      tpu.wait_dma2 semaphore(%run_scoped3A : memref<!tpu.dma_semaphore, #tpu.memory_space<semaphore_mem>>) src(%dma_wait3A_256 : memref<25600xi32, #tpu.memory_space<hbm>>) dst(%arg5 : memref<25600xi32, #tpu.memory_space<vmem>>)
      tpu.yield
    }) : () -> ()
    %dma_start3A = arith.constant 0 : i32
    %dma_start3A_3 = arith.constant 0 : i32
    %dma_start3A_4 = arith.constant 0 : i32
    %dma_start3A_5 = arith.constant 0 : i32
    %dma_start3A_6 = tpu.memref_slice %arg6[%dma_start3A, %dma_start3A_4, %dma_start3A_5] : memref<4x400x64xf32, #tpu.memory_space<vmem>> -> memref<1x400x64xf32, #tpu.memory_space<vmem>>
    %dma_start3A_7 = tpu.memref_squeeze %dma_start3A_6 : memref<1x400x64xf32, #tpu.memory_space<vmem>> -> memref<400x64xf32, #tpu.memory_space<vmem>>
    %dma_start3A_8 = arith.constant 0 : i32
    %dma_start3A_9 = tpu.memref_slice %arg5[%dma_start3A_8] : memref<25600xi32, #tpu.memory_space<vmem>> -> memref<400xi32, #tpu.memory_space<vmem>>
    %dma_start3A_10 = arith.constant 0 : i32
    %dma_start3A_11 = arith.constant 0 : i32
    %dma_start3A_12 = tpu.memref_slice %arg3[%dma_start3A_10, %dma_start3A_11] : memref<1000000x64xf32, #tpu.memory_space<hbm>> -> memref<1000000x64xf32, #tpu.memory_space<hbm>>
    %dma_start3A_13 = tpu.memref_slice %arg7[%dma_start3A_3] : memref<4x!tpu.dma_semaphore, #tpu.memory_space<semaphore_mem>> -> memref<1x!tpu.dma_semaphore, #tpu.memory_space<semaphore_mem>>
    %dma_start3A_14 = tpu.memref_squeeze %dma_start3A_13 : memref<1x!tpu.dma_semaphore, #tpu.memory_space<semaphore_mem>> -> memref<!tpu.dma_semaphore, #tpu.memory_space<semaphore_mem>>
    tpu.enqueue_indirect_dma source(%dma_start3A_12 : memref<1000000x64xf32, #tpu.memory_space<hbm>>) target(%dma_start3A_7 : memref<400x64xf32, #tpu.memory_space<vmem>>) offsets(%dma_start3A_9 : memref<400xi32, #tpu.memory_space<vmem>>) semaphore(%dma_start3A_14 : memref<!tpu.dma_semaphore, #tpu.memory_space<semaphore_mem>>)
    %dma_start3A_15 = arith.constant 1 : i32
    %dma_start3A_16 = arith.constant 1 : i32
    %dma_start3A_17 = arith.constant 0 : i32
    %dma_start3A_18 = arith.constant 0 : i32
    %dma_start3A_19 = tpu.memref_slice %arg6[%dma_start3A_15, %dma_start3A_17, %dma_start3A_18] : memref<4x400x64xf32, #tpu.memory_space<vmem>> -> memref<1x400x64xf32, #tpu.memory_space<vmem>>
    %dma_start3A_20 = tpu.memref_squeeze %dma_start3A_19 : memref<1x400x64xf32, #tpu.memory_space<vmem>> -> memref<400x64xf32, #tpu.memory_space<vmem>>
    %dma_start3A_21 = arith.constant 400 : i32
    %dma_start3A_22 = tpu.memref_slice %arg5[%dma_start3A_21] : memref<25600xi32, #tpu.memory_space<vmem>> -> memref<400xi32, #tpu.memory_space<vmem>>
    %dma_start3A_23 = arith.constant 0 : i32
    %dma_start3A_24 = arith.constant 0 : i32
    %dma_start3A_25 = tpu.memref_slice %arg3[%dma_start3A_23, %dma_start3A_24] : memref<1000000x64xf32, #tpu.memory_space<hbm>> -> memref<1000000x64xf32, #tpu.memory_space<hbm>>
    %dma_start3A_26 = tpu.memref_slice %arg7[%dma_start3A_16] : memref<4x!tpu.dma_semaphore, #tpu.memory_space<semaphore_mem>> -> memref<1x!tpu.dma_semaphore, #tpu.memory_space<semaphore_mem>>
    %dma_start3A_27 = tpu.memref_squeeze %dma_start3A_26 : memref<1x!tpu.dma_semaphore, #tpu.memory_space<semaphore_mem>> -> memref<!tpu.dma_semaphore, #tpu.memory_space<semaphore_mem>>
    tpu.enqueue_indirect_dma source(%dma_start3A_25 : memref<1000000x64xf32, #tpu.memory_space<hbm>>) target(%dma_start3A_20 : memref<400x64xf32, #tpu.memory_space<vmem>>) offsets(%dma_start3A_22 : memref<400xi32, #tpu.memory_space<vmem>>) semaphore(%dma_start3A_27 : memref<!tpu.dma_semaphore, #tpu.memory_space<semaphore_mem>>)
    %dma_wait3A = arith.constant 0 : i32
    %dma_wait3A_28 = arith.constant 0 : i32
    %dma_wait3A_29 = arith.constant 0 : i32
    %dma_wait3A_30 = arith.constant 0 : i32
    %dma_wait3A_31 = tpu.memref_slice %arg6[%dma_wait3A, %dma_wait3A_29, %dma_wait3A_30] : memref<4x400x64xf32, #tpu.memory_space<vmem>> -> memref<1x400x64xf32, #tpu.memory_space<vmem>>
    %dma_wait3A_32 = tpu.memref_squeeze %dma_wait3A_31 : memref<1x400x64xf32, #tpu.memory_space<vmem>> -> memref<400x64xf32, #tpu.memory_space<vmem>>
    %dma_wait3A_33 = arith.constant 0 : i32
    %dma_wait3A_34 = tpu.memref_slice %arg5[%dma_wait3A_33] : memref<25600xi32, #tpu.memory_space<vmem>> -> memref<400xi32, #tpu.memory_space<vmem>>
    %dma_wait3A_35 = arith.constant 0 : i32
    %dma_wait3A_36 = arith.constant 0 : i32
    %dma_wait3A_37 = tpu.memref_slice %arg3[%dma_wait3A_35, %dma_wait3A_36] : memref<1000000x64xf32, #tpu.memory_space<hbm>> -> memref<1000000x64xf32, #tpu.memory_space<hbm>>
    %dma_wait3A_38 = tpu.memref_slice %arg7[%dma_wait3A_28] : memref<4x!tpu.dma_semaphore, #tpu.memory_space<semaphore_mem>> -> memref<1x!tpu.dma_semaphore, #tpu.memory_space<semaphore_mem>>
    %dma_wait3A_39 = tpu.memref_squeeze %dma_wait3A_38 : memref<1x!tpu.dma_semaphore, #tpu.memory_space<semaphore_mem>> -> memref<!tpu.dma_semaphore, #tpu.memory_space<semaphore_mem>>
    tpu.wait_indirect_dma semaphore(%dma_wait3A_39 : memref<!tpu.dma_semaphore, #tpu.memory_space<semaphore_mem>>) src(%dma_wait3A_37 : memref<1000000x64xf32, #tpu.memory_space<hbm>>) dst(%dma_wait3A_32 : memref<400x64xf32, #tpu.memory_space<vmem>>)
    %add3A_40 = arith.constant 0 : i32
    %add3A_41 = arith.addi %mul3A_2, %add3A_40 : i32
    %dma_start3A_42 = arith.constant 0 : i32
    %dma_start3A_43 = arith.constant 0 : i32
    %dma_start3A_44 = arith.constant 0 : i32
    %dma_start3A_45 = arith.constant 0 : i32
    %dma_start3A_46 = tpu.memref_slice %arg6[%dma_start3A_42, %dma_start3A_44, %dma_start3A_45] : memref<4x400x64xf32, #tpu.memory_space<vmem>> -> memref<1x400x64xf32, #tpu.memory_space<vmem>>
    %dma_start3A_47 = tpu.memref_squeeze %dma_start3A_46 : memref<1x400x64xf32, #tpu.memory_space<vmem>> -> memref<400x64xf32, #tpu.memory_space<vmem>>
    %dma_start3A_48 = arith.constant 0 : i32
    %dma_start3A_49 = tpu.memref_slice %arg4[%add3A_41, %dma_start3A_48] : memref<819200x64xf32, #tpu.memory_space<hbm>> -> memref<400x64xf32, #tpu.memory_space<hbm>>
    %dma_start3A_50 = tpu.memref_slice %arg8[%dma_start3A_43] : memref<4x!tpu.dma_semaphore, #tpu.memory_space<semaphore_mem>> -> memref<1x!tpu.dma_semaphore, #tpu.memory_space<semaphore_mem>>
    %dma_start3A_51 = tpu.memref_squeeze %dma_start3A_50 : memref<1x!tpu.dma_semaphore, #tpu.memory_space<semaphore_mem>> -> memref<!tpu.dma_semaphore, #tpu.memory_space<semaphore_mem>>
    %dma_start3A_52 = arith.constant 0 : i32
    %dma_start3A_53 = tpu.memref_slice %arg4[%add3A_41, %dma_start3A_52] : memref<819200x64xf32, #tpu.memory_space<hbm>> -> memref<400x64xf32, #tpu.memory_space<hbm>>
    %dma_start3A_54 = arith.constant 0 : i32
    %dma_start3A_55 = arith.constant 0 : i32
    %dma_start3A_56 = tpu.memref_slice %arg6[%dma_start3A_42, %dma_start3A_54, %dma_start3A_55] : memref<4x400x64xf32, #tpu.memory_space<vmem>> -> memref<1x400x64xf32, #tpu.memory_space<vmem>>
    %dma_start3A_57 = tpu.memref_squeeze %dma_start3A_56 : memref<1x400x64xf32, #tpu.memory_space<vmem>> -> memref<400x64xf32, #tpu.memory_space<vmem>>
    tpu.enqueue_dma source(%dma_start3A_57 : memref<400x64xf32, #tpu.memory_space<vmem>>) target(%dma_start3A_53 : memref<400x64xf32, #tpu.memory_space<hbm>>) target_semaphore(%dma_start3A_51 : memref<!tpu.dma_semaphore, #tpu.memory_space<semaphore_mem>>)
    %dma_start3A_58 = arith.constant 2 : i32
    %dma_start3A_59 = arith.constant 2 : i32
    %dma_start3A_60 = arith.constant 0 : i32
    %dma_start3A_61 = arith.constant 0 : i32
    %dma_start3A_62 = tpu.memref_slice %arg6[%dma_start3A_58, %dma_start3A_60, %dma_start3A_61] : memref<4x400x64xf32, #tpu.memory_space<vmem>> -> memref<1x400x64xf32, #tpu.memory_space<vmem>>
    %dma_start3A_63 = tpu.memref_squeeze %dma_start3A_62 : memref<1x400x64xf32, #tpu.memory_space<vmem>> -> memref<400x64xf32, #tpu.memory_space<vmem>>
    %dma_start3A_64 = arith.constant 800 : i32
    %dma_start3A_65 = tpu.memref_slice %arg5[%dma_start3A_64] : memref<25600xi32, #tpu.memory_space<vmem>> -> memref<400xi32, #tpu.memory_space<vmem>>
    %dma_start3A_66 = arith.constant 0 : i32
    %dma_start3A_67 = arith.constant 0 : i32
    %dma_start3A_68 = tpu.memref_slice %arg3[%dma_start3A_66, %dma_start3A_67] : memref<1000000x64xf32, #tpu.memory_space<hbm>> -> memref<1000000x64xf32, #tpu.memory_space<hbm>>
    %dma_start3A_69 = tpu.memref_slice %arg7[%dma_start3A_59] : memref<4x!tpu.dma_semaphore, #tpu.memory_space<semaphore_mem>> -> memref<1x!tpu.dma_semaphore, #tpu.memory_space<semaphore_mem>>
    %dma_start3A_70 = tpu.memref_squeeze %dma_start3A_69 : memref<1x!tpu.dma_semaphore, #tpu.memory_space<semaphore_mem>> -> memref<!tpu.dma_semaphore, #tpu.memory_space<semaphore_mem>>
    tpu.enqueue_indirect_dma source(%dma_start3A_68 : memref<1000000x64xf32, #tpu.memory_space<hbm>>) target(%dma_start3A_63 : memref<400x64xf32, #tpu.memory_space<vmem>>) offsets(%dma_start3A_65 : memref<400xi32, #tpu.memory_space<vmem>>) semaphore(%dma_start3A_70 : memref<!tpu.dma_semaphore, #tpu.memory_space<semaphore_mem>>)
    %dma_wait3A_71 = arith.constant 1 : i32
    %dma_wait3A_72 = arith.constant 1 : i32
    %dma_wait3A_73 = arith.constant 0 : i32
    %dma_wait3A_74 = arith.constant 0 : i32
    %dma_wait3A_75 = tpu.memref_slice %arg6[%dma_wait3A_71, %dma_wait3A_73, %dma_wait3A_74] : memref<4x400x64xf32, #tpu.memory_space<vmem>> -> memref<1x400x64xf32, #tpu.memory_space<vmem>>
    %dma_wait3A_76 = tpu.memref_squeeze %dma_wait3A_75 : memref<1x400x64xf32, #tpu.memory_space<vmem>> -> memref<400x64xf32, #tpu.memory_space<vmem>>
    %dma_wait3A_77 = arith.constant 400 : i32
    %dma_wait3A_78 = tpu.memref_slice %arg5[%dma_wait3A_77] : memref<25600xi32, #tpu.memory_space<vmem>> -> memref<400xi32, #tpu.memory_space<vmem>>
    %dma_wait3A_79 = arith.constant 0 : i32
    %dma_wait3A_80 = arith.constant 0 : i32
    %dma_wait3A_81 = tpu.memref_slice %arg3[%dma_wait3A_79, %dma_wait3A_80] : memref<1000000x64xf32, #tpu.memory_space<hbm>> -> memref<1000000x64xf32, #tpu.memory_space<hbm>>
    %dma_wait3A_82 = tpu.memref_slice %arg7[%dma_wait3A_72] : memref<4x!tpu.dma_semaphore, #tpu.memory_space<semaphore_mem>> -> memref<1x!tpu.dma_semaphore, #tpu.memory_space<semaphore_mem>>
    %dma_wait3A_83 = tpu.memref_squeeze %dma_wait3A_82 : memref<1x!tpu.dma_semaphore, #tpu.memory_space<semaphore_mem>> -> memref<!tpu.dma_semaphore, #tpu.memory_space<semaphore_mem>>
    tpu.wait_indirect_dma semaphore(%dma_wait3A_83 : memref<!tpu.dma_semaphore, #tpu.memory_space<semaphore_mem>>) src(%dma_wait3A_81 : memref<1000000x64xf32, #tpu.memory_space<hbm>>) dst(%dma_wait3A_76 : memref<400x64xf32, #tpu.memory_space<vmem>>)
    %add3A_84 = arith.constant 400 : i32
    %add3A_85 = arith.addi %mul3A_2, %add3A_84 : i32
    %dma_start3A_86 = arith.constant 1 : i32
    %dma_start3A_87 = arith.constant 1 : i32
    %dma_start3A_88 = arith.constant 0 : i32
    %dma_start3A_89 = arith.constant 0 : i32
    %dma_start3A_90 = tpu.memref_slice %arg6[%dma_start3A_86, %dma_start3A_88, %dma_start3A_89] : memref<4x400x64xf32, #tpu.memory_space<vmem>> -> memref<1x400x64xf32, #tpu.memory_space<vmem>>
    %dma_start3A_91 = tpu.memref_squeeze %dma_start3A_90 : memref<1x400x64xf32, #tpu.memory_space<vmem>> -> memref<400x64xf32, #tpu.memory_space<vmem>>
    %dma_start3A_92 = arith.constant 0 : i32
    %dma_start3A_93 = tpu.memref_slice %arg4[%add3A_85, %dma_start3A_92] : memref<819200x64xf32, #tpu.memory_space<hbm>> -> memref<400x64xf32, #tpu.memory_space<hbm>>
    %dma_start3A_94 = tpu.memref_slice %arg8[%dma_start3A_87] : memref<4x!tpu.dma_semaphore, #tpu.memory_space<semaphore_mem>> -> memref<1x!tpu.dma_semaphore, #tpu.memory_space<semaphore_mem>>
    %dma_start3A_95 = tpu.memref_squeeze %dma_start3A_94 : memref<1x!tpu.dma_semaphore, #tpu.memory_space<semaphore_mem>> -> memref<!tpu.dma_semaphore, #tpu.memory_space<semaphore_mem>>
    %dma_start3A_96 = arith.constant 0 : i32
    %dma_start3A_97 = tpu.memref_slice %arg4[%add3A_85, %dma_start3A_96] : memref<819200x64xf32, #tpu.memory_space<hbm>> -> memref<400x64xf32, #tpu.memory_space<hbm>>
    %dma_start3A_98 = arith.constant 0 : i32
    %dma_start3A_99 = arith.constant 0 : i32
    %dma_start3A_100 = tpu.memref_slice %arg6[%dma_start3A_86, %dma_start3A_98, %dma_start3A_99] : memref<4x400x64xf32, #tpu.memory_space<vmem>> -> memref<1x400x64xf32, #tpu.memory_space<vmem>>
    %dma_start3A_101 = tpu.memref_squeeze %dma_start3A_100 : memref<1x400x64xf32, #tpu.memory_space<vmem>> -> memref<400x64xf32, #tpu.memory_space<vmem>>
    tpu.enqueue_dma source(%dma_start3A_101 : memref<400x64xf32, #tpu.memory_space<vmem>>) target(%dma_start3A_97 : memref<400x64xf32, #tpu.memory_space<hbm>>) target_semaphore(%dma_start3A_95 : memref<!tpu.dma_semaphore, #tpu.memory_space<semaphore_mem>>)
    %dma_start3A_102 = arith.constant 3 : i32
    %dma_start3A_103 = arith.constant 3 : i32
    %dma_start3A_104 = arith.constant 0 : i32
    %dma_start3A_105 = arith.constant 0 : i32
    %dma_start3A_106 = tpu.memref_slice %arg6[%dma_start3A_102, %dma_start3A_104, %dma_start3A_105] : memref<4x400x64xf32, #tpu.memory_space<vmem>> -> memref<1x400x64xf32, #tpu.memory_space<vmem>>
    %dma_start3A_107 = tpu.memref_squeeze %dma_start3A_106 : memref<1x400x64xf32, #tpu.memory_space<vmem>> -> memref<400x64xf32, #tpu.memory_space<vmem>>
    %dma_start3A_108 = arith.constant 1200 : i32
    %dma_start3A_109 = tpu.memref_slice %arg5[%dma_start3A_108] : memref<25600xi32, #tpu.memory_space<vmem>> -> memref<400xi32, #tpu.memory_space<vmem>>
    %dma_start3A_110 = arith.constant 0 : i32
    %dma_start3A_111 = arith.constant 0 : i32
    %dma_start3A_112 = tpu.memref_slice %arg3[%dma_start3A_110, %dma_start3A_111] : memref<1000000x64xf32, #tpu.memory_space<hbm>> -> memref<1000000x64xf32, #tpu.memory_space<hbm>>
    %dma_start3A_113 = tpu.memref_slice %arg7[%dma_start3A_103] : memref<4x!tpu.dma_semaphore, #tpu.memory_space<semaphore_mem>> -> memref<1x!tpu.dma_semaphore, #tpu.memory_space<semaphore_mem>>
    %dma_start3A_114 = tpu.memref_squeeze %dma_start3A_113 : memref<1x!tpu.dma_semaphore, #tpu.memory_space<semaphore_mem>> -> memref<!tpu.dma_semaphore, #tpu.memory_space<semaphore_mem>>
    tpu.enqueue_indirect_dma source(%dma_start3A_112 : memref<1000000x64xf32, #tpu.memory_space<hbm>>) target(%dma_start3A_107 : memref<400x64xf32, #tpu.memory_space<vmem>>) offsets(%dma_start3A_109 : memref<400xi32, #tpu.memory_space<vmem>>) semaphore(%dma_start3A_114 : memref<!tpu.dma_semaphore, #tpu.memory_space<semaphore_mem>>)
    %scan3A = arith.constant 0 : i32
    %scan3A_115 = arith.constant 15 : i32
    %scan3A_116 = arith.addi %scan3A, %scan3A_115 : i32
    %scan3A_117 = arith.constant 1 : i32
    scf.for %scan3A_253 = %scan3A to %scan3A_116 step %scan3A_117  : i32 {
      %mul3A_254 = arith.constant 4 : i32
      %mul3A_255 = arith.muli %scan3A_253, %mul3A_254 : i32
      %add3A_256 = arith.constant 2 : i32
      %add3A_257 = arith.addi %add3A_256, %mul3A_255 : i32
      %add3A_258 = arith.constant 0 : i32
      %add3A_259 = arith.addi %add3A_257, %add3A_258 : i32
      %mul3A_260 = arith.constant 400 : i32
      %mul3A_261 = arith.muli %add3A_259, %mul3A_260 : i32
      %dma_wait3A_262 = arith.constant 2 : i32
      %dma_wait3A_263 = arith.constant 2 : i32
      %dma_wait3A_264 = arith.constant 0 : i32
      %dma_wait3A_265 = arith.constant 0 : i32
      %dma_wait3A_266 = tpu.memref_slice %arg6[%dma_wait3A_262, %dma_wait3A_264, %dma_wait3A_265] : memref<4x400x64xf32, #tpu.memory_space<vmem>> -> memref<1x400x64xf32, #tpu.memory_space<vmem>>
      %dma_wait3A_267 = tpu.memref_squeeze %dma_wait3A_266 : memref<1x400x64xf32, #tpu.memory_space<vmem>> -> memref<400x64xf32, #tpu.memory_space<vmem>>
      %dma_wait3A_268 = tpu.memref_slice %arg5[%mul3A_261] : memref<25600xi32, #tpu.memory_space<vmem>> -> memref<400xi32, #tpu.memory_space<vmem>>
      %dma_wait3A_269 = arith.constant 0 : i32
      %dma_wait3A_270 = arith.constant 0 : i32
      %dma_wait3A_271 = tpu.memref_slice %arg3[%dma_wait3A_269, %dma_wait3A_270] : memref<1000000x64xf32, #tpu.memory_space<hbm>> -> memref<1000000x64xf32, #tpu.memory_space<hbm>>
      %dma_wait3A_272 = tpu.memref_slice %arg7[%dma_wait3A_263] : memref<4x!tpu.dma_semaphore, #tpu.memory_space<semaphore_mem>> -> memref<1x!tpu.dma_semaphore, #tpu.memory_space<semaphore_mem>>
      %dma_wait3A_273 = tpu.memref_squeeze %dma_wait3A_272 : memref<1x!tpu.dma_semaphore, #tpu.memory_space<semaphore_mem>> -> memref<!tpu.dma_semaphore, #tpu.memory_space<semaphore_mem>>
      tpu.wait_indirect_dma semaphore(%dma_wait3A_273 : memref<!tpu.dma_semaphore, #tpu.memory_space<semaphore_mem>>) src(%dma_wait3A_271 : memref<1000000x64xf32, #tpu.memory_space<hbm>>) dst(%dma_wait3A_267 : memref<400x64xf32, #tpu.memory_space<vmem>>)
      %mul3A_274 = arith.constant 400 : i32
      %mul3A_275 = arith.muli %add3A_259, %mul3A_274 : i32
      %add3A_276 = arith.addi %mul3A_2, %mul3A_275 : i32
      %dma_start3A_277 = arith.constant 2 : i32
      %dma_start3A_278 = arith.constant 2 : i32
      %dma_start3A_279 = arith.constant 0 : i32
      %dma_start3A_280 = arith.constant 0 : i32
      %dma_start3A_281 = tpu.memref_slice %arg6[%dma_start3A_277, %dma_start3A_279, %dma_start3A_280] : memref<4x400x64xf32, #tpu.memory_space<vmem>> -> memref<1x400x64xf32, #tpu.memory_space<vmem>>
      %dma_start3A_282 = tpu.memref_squeeze %dma_start3A_281 : memref<1x400x64xf32, #tpu.memory_space<vmem>> -> memref<400x64xf32, #tpu.memory_space<vmem>>
      %dma_start3A_283 = arith.constant 0 : i32
      %dma_start3A_284 = tpu.memref_slice %arg4[%add3A_276, %dma_start3A_283] : memref<819200x64xf32, #tpu.memory_space<hbm>> -> memref<400x64xf32, #tpu.memory_space<hbm>>
      %dma_start3A_285 = tpu.memref_slice %arg8[%dma_start3A_278] : memref<4x!tpu.dma_semaphore, #tpu.memory_space<semaphore_mem>> -> memref<1x!tpu.dma_semaphore, #tpu.memory_space<semaphore_mem>>
      %dma_start3A_286 = tpu.memref_squeeze %dma_start3A_285 : memref<1x!tpu.dma_semaphore, #tpu.memory_space<semaphore_mem>> -> memref<!tpu.dma_semaphore, #tpu.memory_space<semaphore_mem>>
      %dma_start3A_287 = arith.constant 0 : i32
      %dma_start3A_288 = tpu.memref_slice %arg4[%add3A_276, %dma_start3A_287] : memref<819200x64xf32, #tpu.memory_space<hbm>> -> memref<400x64xf32, #tpu.memory_space<hbm>>
      %dma_start3A_289 = arith.constant 0 : i32
      %dma_start3A_290 = arith.constant 0 : i32
      %dma_start3A_291 = tpu.memref_slice %arg6[%dma_start3A_277, %dma_start3A_289, %dma_start3A_290] : memref<4x400x64xf32, #tpu.memory_space<vmem>> -> memref<1x400x64xf32, #tpu.memory_space<vmem>>
      %dma_start3A_292 = tpu.memref_squeeze %dma_start3A_291 : memref<1x400x64xf32, #tpu.memory_space<vmem>> -> memref<400x64xf32, #tpu.memory_space<vmem>>
      tpu.enqueue_dma source(%dma_start3A_292 : memref<400x64xf32, #tpu.memory_space<vmem>>) target(%dma_start3A_288 : memref<400x64xf32, #tpu.memory_space<hbm>>) target_semaphore(%dma_start3A_286 : memref<!tpu.dma_semaphore, #tpu.memory_space<semaphore_mem>>)
      %add3A_293 = arith.constant 2 : i32
      %add3A_294 = arith.addi %add3A_259, %add3A_293 : i32
      %sub3A = arith.constant 4 : i32
      %sub3A_295 = arith.subi %add3A_294, %sub3A : i32
      %mul3A_296 = arith.constant 400 : i32
      %mul3A_297 = arith.muli %sub3A_295, %mul3A_296 : i32
      %add3A_298 = arith.addi %mul3A_2, %mul3A_297 : i32
      %dma_wait3A_299 = arith.constant 0 : i32
      %dma_wait3A_300 = arith.constant 0 : i32
      %dma_wait3A_301 = arith.constant 0 : i32
      %dma_wait3A_302 = arith.constant 0 : i32
      %dma_wait3A_303 = tpu.memref_slice %arg6[%dma_wait3A_299, %dma_wait3A_301, %dma_wait3A_302] : memref<4x400x64xf32, #tpu.memory_space<vmem>> -> memref<1x400x64xf32, #tpu.memory_space<vmem>>
      %dma_wait3A_304 = tpu.memref_squeeze %dma_wait3A_303 : memref<1x400x64xf32, #tpu.memory_space<vmem>> -> memref<400x64xf32, #tpu.memory_space<vmem>>
      %dma_wait3A_305 = arith.constant 0 : i32
      %dma_wait3A_306 = tpu.memref_slice %arg4[%add3A_298, %dma_wait3A_305] : memref<819200x64xf32, #tpu.memory_space<hbm>> -> memref<400x64xf32, #tpu.memory_space<hbm>>
      %dma_wait3A_307 = tpu.memref_slice %arg8[%dma_wait3A_300] : memref<4x!tpu.dma_semaphore, #tpu.memory_space<semaphore_mem>> -> memref<1x!tpu.dma_semaphore, #tpu.memory_space<semaphore_mem>>
      %dma_wait3A_308 = tpu.memref_squeeze %dma_wait3A_307 : memref<1x!tpu.dma_semaphore, #tpu.memory_space<semaphore_mem>> -> memref<!tpu.dma_semaphore, #tpu.memory_space<semaphore_mem>>
      %dma_wait3A_309 = arith.constant 0 : i32
      %dma_wait3A_310 = tpu.memref_slice %arg4[%add3A_298, %dma_wait3A_309] : memref<819200x64xf32, #tpu.memory_space<hbm>> -> memref<400x64xf32, #tpu.memory_space<hbm>>
      %dma_wait3A_311 = arith.constant 0 : i32
      %dma_wait3A_312 = arith.constant 0 : i32
      %dma_wait3A_313 = tpu.memref_slice %arg6[%dma_wait3A_299, %dma_wait3A_311, %dma_wait3A_312] : memref<4x400x64xf32, #tpu.memory_space<vmem>> -> memref<1x400x64xf32, #tpu.memory_space<vmem>>
      %dma_wait3A_314 = tpu.memref_squeeze %dma_wait3A_313 : memref<1x400x64xf32, #tpu.memory_space<vmem>> -> memref<400x64xf32, #tpu.memory_space<vmem>>
      tpu.wait_dma2 semaphore(%dma_wait3A_308 : memref<!tpu.dma_semaphore, #tpu.memory_space<semaphore_mem>>) src(%dma_wait3A_314 : memref<400x64xf32, #tpu.memory_space<vmem>>) dst(%dma_wait3A_310 : memref<400x64xf32, #tpu.memory_space<hbm>>)
      %mul3A_315 = arith.constant 400 : i32
      %mul3A_316 = arith.muli %add3A_294, %mul3A_315 : i32
      %dma_start3A_317 = arith.constant 0 : i32
      %dma_start3A_318 = arith.constant 0 : i32
      %dma_start3A_319 = arith.constant 0 : i32
      %dma_start3A_320 = arith.constant 0 : i32
      %dma_start3A_321 = tpu.memref_slice %arg6[%dma_start3A_317, %dma_start3A_319, %dma_start3A_320] : memref<4x400x64xf32, #tpu.memory_space<vmem>> -> memref<1x400x64xf32, #tpu.memory_space<vmem>>
      %dma_start3A_322 = tpu.memref_squeeze %dma_start3A_321 : memref<1x400x64xf32, #tpu.memory_space<vmem>> -> memref<400x64xf32, #tpu.memory_space<vmem>>
      %dma_start3A_323 = tpu.memref_slice %arg5[%mul3A_316] : memref<25600xi32, #tpu.memory_space<vmem>> -> memref<400xi32, #tpu.memory_space<vmem>>
      %dma_start3A_324 = arith.constant 0 : i32
      %dma_start3A_325 = arith.constant 0 : i32
      %dma_start3A_326 = tpu.memref_slice %arg3[%dma_start3A_324, %dma_start3A_325] : memref<1000000x64xf32, #tpu.memory_space<hbm>> -> memref<1000000x64xf32, #tpu.memory_space<hbm>>
      %dma_start3A_327 = tpu.memref_slice %arg7[%dma_start3A_318] : memref<4x!tpu.dma_semaphore, #tpu.memory_space<semaphore_mem>> -> memref<1x!tpu.dma_semaphore, #tpu.memory_space<semaphore_mem>>
      %dma_start3A_328 = tpu.memref_squeeze %dma_start3A_327 : memref<1x!tpu.dma_semaphore, #tpu.memory_space<semaphore_mem>> -> memref<!tpu.dma_semaphore, #tpu.memory_space<semaphore_mem>>
      tpu.enqueue_indirect_dma source(%dma_start3A_326 : memref<1000000x64xf32, #tpu.memory_space<hbm>>) target(%dma_start3A_322 : memref<400x64xf32, #tpu.memory_space<vmem>>) offsets(%dma_start3A_323 : memref<400xi32, #tpu.memory_space<vmem>>) semaphore(%dma_start3A_328 : memref<!tpu.dma_semaphore, #tpu.memory_space<semaphore_mem>>)
      %add3A_329 = arith.constant 1 : i32
      %add3A_330 = arith.addi %add3A_257, %add3A_329 : i32
      %mul3A_331 = arith.constant 400 : i32
      %mul3A_332 = arith.muli %add3A_330, %mul3A_331 : i32
      %dma_wait3A_333 = arith.constant 3 : i32
      %dma_wait3A_334 = arith.constant 3 : i32
      %dma_wait3A_335 = arith.constant 0 : i32
      %dma_wait3A_336 = arith.constant 0 : i32
      %dma_wait3A_337 = tpu.memref_slice %arg6[%dma_wait3A_333, %dma_wait3A_335, %dma_wait3A_336] : memref<4x400x64xf32, #tpu.memory_space<vmem>> -> memref<1x400x64xf32, #tpu.memory_space<vmem>>
      %dma_wait3A_338 = tpu.memref_squeeze %dma_wait3A_337 : memref<1x400x64xf32, #tpu.memory_space<vmem>> -> memref<400x64xf32, #tpu.memory_space<vmem>>
      %dma_wait3A_339 = tpu.memref_slice %arg5[%mul3A_332] : memref<25600xi32, #tpu.memory_space<vmem>> -> memref<400xi32, #tpu.memory_space<vmem>>
      %dma_wait3A_340 = arith.constant 0 : i32
      %dma_wait3A_341 = arith.constant 0 : i32
      %dma_wait3A_342 = tpu.memref_slice %arg3[%dma_wait3A_340, %dma_wait3A_341] : memref<1000000x64xf32, #tpu.memory_space<hbm>> -> memref<1000000x64xf32, #tpu.memory_space<hbm>>
      %dma_wait3A_343 = tpu.memref_slice %arg7[%dma_wait3A_334] : memref<4x!tpu.dma_semaphore, #tpu.memory_space<semaphore_mem>> -> memref<1x!tpu.dma_semaphore, #tpu.memory_space<semaphore_mem>>
      %dma_wait3A_344 = tpu.memref_squeeze %dma_wait3A_343 : memref<1x!tpu.dma_semaphore, #tpu.memory_space<semaphore_mem>> -> memref<!tpu.dma_semaphore, #tpu.memory_space<semaphore_mem>>
      tpu.wait_indirect_dma semaphore(%dma_wait3A_344 : memref<!tpu.dma_semaphore, #tpu.memory_space<semaphore_mem>>) src(%dma_wait3A_342 : memref<1000000x64xf32, #tpu.memory_space<hbm>>) dst(%dma_wait3A_338 : memref<400x64xf32, #tpu.memory_space<vmem>>)
      %mul3A_345 = arith.constant 400 : i32
      %mul3A_346 = arith.muli %add3A_330, %mul3A_345 : i32
      %add3A_347 = arith.addi %mul3A_2, %mul3A_346 : i32
      %dma_start3A_348 = arith.constant 3 : i32
      %dma_start3A_349 = arith.constant 3 : i32
      %dma_start3A_350 = arith.constant 0 : i32
      %dma_start3A_351 = arith.constant 0 : i32
      %dma_start3A_352 = tpu.memref_slice %arg6[%dma_start3A_348, %dma_start3A_350, %dma_start3A_351] : memref<4x400x64xf32, #tpu.memory_space<vmem>> -> memref<1x400x64xf32, #tpu.memory_space<vmem>>
      %dma_start3A_353 = tpu.memref_squeeze %dma_start3A_352 : memref<1x400x64xf32, #tpu.memory_space<vmem>> -> memref<400x64xf32, #tpu.memory_space<vmem>>
      %dma_start3A_354 = arith.constant 0 : i32
      %dma_start3A_355 = tpu.memref_slice %arg4[%add3A_347, %dma_start3A_354] : memref<819200x64xf32, #tpu.memory_space<hbm>> -> memref<400x64xf32, #tpu.memory_space<hbm>>
      %dma_start3A_356 = tpu.memref_slice %arg8[%dma_start3A_349] : memref<4x!tpu.dma_semaphore, #tpu.memory_space<semaphore_mem>> -> memref<1x!tpu.dma_semaphore, #tpu.memory_space<semaphore_mem>>
      %dma_start3A_357 = tpu.memref_squeeze %dma_start3A_356 : memref<1x!tpu.dma_semaphore, #tpu.memory_space<semaphore_mem>> -> memref<!tpu.dma_semaphore, #tpu.memory_space<semaphore_mem>>
      %dma_start3A_358 = arith.constant 0 : i32
      %dma_start3A_359 = tpu.memref_slice %arg4[%add3A_347, %dma_start3A_358] : memref<819200x64xf32, #tpu.memory_space<hbm>> -> memref<400x64xf32, #tpu.memory_space<hbm>>
      %dma_start3A_360 = arith.constant 0 : i32
      %dma_start3A_361 = arith.constant 0 : i32
      %dma_start3A_362 = tpu.memref_slice %arg6[%dma_start3A_348, %dma_start3A_360, %dma_start3A_361] : memref<4x400x64xf32, #tpu.memory_space<vmem>> -> memref<1x400x64xf32, #tpu.memory_space<vmem>>
      %dma_start3A_363 = tpu.memref_squeeze %dma_start3A_362 : memref<1x400x64xf32, #tpu.memory_space<vmem>> -> memref<400x64xf32, #tpu.memory_space<vmem>>
      tpu.enqueue_dma source(%dma_start3A_363 : memref<400x64xf32, #tpu.memory_space<vmem>>) target(%dma_start3A_359 : memref<400x64xf32, #tpu.memory_space<hbm>>) target_semaphore(%dma_start3A_357 : memref<!tpu.dma_semaphore, #tpu.memory_space<semaphore_mem>>)
      %add3A_364 = arith.constant 2 : i32
      %add3A_365 = arith.addi %add3A_330, %add3A_364 : i32
      %sub3A_366 = arith.constant 4 : i32
      %sub3A_367 = arith.subi %add3A_365, %sub3A_366 : i32
      %mul3A_368 = arith.constant 400 : i32
      %mul3A_369 = arith.muli %sub3A_367, %mul3A_368 : i32
      %add3A_370 = arith.addi %mul3A_2, %mul3A_369 : i32
      %dma_wait3A_371 = arith.constant 1 : i32
      %dma_wait3A_372 = arith.constant 1 : i32
      %dma_wait3A_373 = arith.constant 0 : i32
      %dma_wait3A_374 = arith.constant 0 : i32
      %dma_wait3A_375 = tpu.memref_slice %arg6[%dma_wait3A_371, %dma_wait3A_373, %dma_wait3A_374] : memref<4x400x64xf32, #tpu.memory_space<vmem>> -> memref<1x400x64xf32, #tpu.memory_space<vmem>>
      %dma_wait3A_376 = tpu.memref_squeeze %dma_wait3A_375 : memref<1x400x64xf32, #tpu.memory_space<vmem>> -> memref<400x64xf32, #tpu.memory_space<vmem>>
      %dma_wait3A_377 = arith.constant 0 : i32
      %dma_wait3A_378 = tpu.memref_slice %arg4[%add3A_370, %dma_wait3A_377] : memref<819200x64xf32, #tpu.memory_space<hbm>> -> memref<400x64xf32, #tpu.memory_space<hbm>>
      %dma_wait3A_379 = tpu.memref_slice %arg8[%dma_wait3A_372] : memref<4x!tpu.dma_semaphore, #tpu.memory_space<semaphore_mem>> -> memref<1x!tpu.dma_semaphore, #tpu.memory_space<semaphore_mem>>
      %dma_wait3A_380 = tpu.memref_squeeze %dma_wait3A_379 : memref<1x!tpu.dma_semaphore, #tpu.memory_space<semaphore_mem>> -> memref<!tpu.dma_semaphore, #tpu.memory_space<semaphore_mem>>
      %dma_wait3A_381 = arith.constant 0 : i32
      %dma_wait3A_382 = tpu.memref_slice %arg4[%add3A_370, %dma_wait3A_381] : memref<819200x64xf32, #tpu.memory_space<hbm>> -> memref<400x64xf32, #tpu.memory_space<hbm>>
      %dma_wait3A_383 = arith.constant 0 : i32
      %dma_wait3A_384 = arith.constant 0 : i32
      %dma_wait3A_385 = tpu.memref_slice %arg6[%dma_wait3A_371, %dma_wait3A_383, %dma_wait3A_384] : memref<4x400x64xf32, #tpu.memory_space<vmem>> -> memref<1x400x64xf32, #tpu.memory_space<vmem>>
      %dma_wait3A_386 = tpu.memref_squeeze %dma_wait3A_385 : memref<1x400x64xf32, #tpu.memory_space<vmem>> -> memref<400x64xf32, #tpu.memory_space<vmem>>
      tpu.wait_dma2 semaphore(%dma_wait3A_380 : memref<!tpu.dma_semaphore, #tpu.memory_space<semaphore_mem>>) src(%dma_wait3A_386 : memref<400x64xf32, #tpu.memory_space<vmem>>) dst(%dma_wait3A_382 : memref<400x64xf32, #tpu.memory_space<hbm>>)
      %mul3A_387 = arith.constant 400 : i32
      %mul3A_388 = arith.muli %add3A_365, %mul3A_387 : i32
      %dma_start3A_389 = arith.constant 1 : i32
      %dma_start3A_390 = arith.constant 1 : i32
      %dma_start3A_391 = arith.constant 0 : i32
      %dma_start3A_392 = arith.constant 0 : i32
      %dma_start3A_393 = tpu.memref_slice %arg6[%dma_start3A_389, %dma_start3A_391, %dma_start3A_392] : memref<4x400x64xf32, #tpu.memory_space<vmem>> -> memref<1x400x64xf32, #tpu.memory_space<vmem>>
      %dma_start3A_394 = tpu.memref_squeeze %dma_start3A_393 : memref<1x400x64xf32, #tpu.memory_space<vmem>> -> memref<400x64xf32, #tpu.memory_space<vmem>>
      %dma_start3A_395 = tpu.memref_slice %arg5[%mul3A_388] : memref<25600xi32, #tpu.memory_space<vmem>> -> memref<400xi32, #tpu.memory_space<vmem>>
      %dma_start3A_396 = arith.constant 0 : i32
      %dma_start3A_397 = arith.constant 0 : i32
      %dma_start3A_398 = tpu.memref_slice %arg3[%dma_start3A_396, %dma_start3A_397] : memref<1000000x64xf32, #tpu.memory_space<hbm>> -> memref<1000000x64xf32, #tpu.memory_space<hbm>>
      %dma_start3A_399 = tpu.memref_slice %arg7[%dma_start3A_390] : memref<4x!tpu.dma_semaphore, #tpu.memory_space<semaphore_mem>> -> memref<1x!tpu.dma_semaphore, #tpu.memory_space<semaphore_mem>>
      %dma_start3A_400 = tpu.memref_squeeze %dma_start3A_399 : memref<1x!tpu.dma_semaphore, #tpu.memory_space<semaphore_mem>> -> memref<!tpu.dma_semaphore, #tpu.memory_space<semaphore_mem>>
      tpu.enqueue_indirect_dma source(%dma_start3A_398 : memref<1000000x64xf32, #tpu.memory_space<hbm>>) target(%dma_start3A_394 : memref<400x64xf32, #tpu.memory_space<vmem>>) offsets(%dma_start3A_395 : memref<400xi32, #tpu.memory_space<vmem>>) semaphore(%dma_start3A_400 : memref<!tpu.dma_semaphore, #tpu.memory_space<semaphore_mem>>)
      %add3A_401 = arith.constant 2 : i32
      %add3A_402 = arith.addi %add3A_257, %add3A_401 : i32
      %mul3A_403 = arith.constant 400 : i32
      %mul3A_404 = arith.muli %add3A_402, %mul3A_403 : i32
      %dma_wait3A_405 = arith.constant 0 : i32
      %dma_wait3A_406 = arith.constant 0 : i32
      %dma_wait3A_407 = arith.constant 0 : i32
      %dma_wait3A_408 = arith.constant 0 : i32
      %dma_wait3A_409 = tpu.memref_slice %arg6[%dma_wait3A_405, %dma_wait3A_407, %dma_wait3A_408] : memref<4x400x64xf32, #tpu.memory_space<vmem>> -> memref<1x400x64xf32, #tpu.memory_space<vmem>>
      %dma_wait3A_410 = tpu.memref_squeeze %dma_wait3A_409 : memref<1x400x64xf32, #tpu.memory_space<vmem>> -> memref<400x64xf32, #tpu.memory_space<vmem>>
      %dma_wait3A_411 = tpu.memref_slice %arg5[%mul3A_404] : memref<25600xi32, #tpu.memory_space<vmem>> -> memref<400xi32, #tpu.memory_space<vmem>>
      %dma_wait3A_412 = arith.constant 0 : i32
      %dma_wait3A_413 = arith.constant 0 : i32
      %dma_wait3A_414 = tpu.memref_slice %arg3[%dma_wait3A_412, %dma_wait3A_413] : memref<1000000x64xf32, #tpu.memory_space<hbm>> -> memref<1000000x64xf32, #tpu.memory_space<hbm>>
      %dma_wait3A_415 = tpu.memref_slice %arg7[%dma_wait3A_406] : memref<4x!tpu.dma_semaphore, #tpu.memory_space<semaphore_mem>> -> memref<1x!tpu.dma_semaphore, #tpu.memory_space<semaphore_mem>>
      %dma_wait3A_416 = tpu.memref_squeeze %dma_wait3A_415 : memref<1x!tpu.dma_semaphore, #tpu.memory_space<semaphore_mem>> -> memref<!tpu.dma_semaphore, #tpu.memory_space<semaphore_mem>>
      tpu.wait_indirect_dma semaphore(%dma_wait3A_416 : memref<!tpu.dma_semaphore, #tpu.memory_space<semaphore_mem>>) src(%dma_wait3A_414 : memref<1000000x64xf32, #tpu.memory_space<hbm>>) dst(%dma_wait3A_410 : memref<400x64xf32, #tpu.memory_space<vmem>>)
      %mul3A_417 = arith.constant 400 : i32
      %mul3A_418 = arith.muli %add3A_402, %mul3A_417 : i32
      %add3A_419 = arith.addi %mul3A_2, %mul3A_418 : i32
      %dma_start3A_420 = arith.constant 0 : i32
      %dma_start3A_421 = arith.constant 0 : i32
      %dma_start3A_422 = arith.constant 0 : i32
      %dma_start3A_423 = arith.constant 0 : i32
      %dma_start3A_424 = tpu.memref_slice %arg6[%dma_start3A_420, %dma_start3A_422, %dma_start3A_423] : memref<4x400x64xf32, #tpu.memory_space<vmem>> -> memref<1x400x64xf32, #tpu.memory_space<vmem>>
      %dma_start3A_425 = tpu.memref_squeeze %dma_start3A_424 : memref<1x400x64xf32, #tpu.memory_space<vmem>> -> memref<400x64xf32, #tpu.memory_space<vmem>>
      %dma_start3A_426 = arith.constant 0 : i32
      %dma_start3A_427 = tpu.memref_slice %arg4[%add3A_419, %dma_start3A_426] : memref<819200x64xf32, #tpu.memory_space<hbm>> -> memref<400x64xf32, #tpu.memory_space<hbm>>
      %dma_start3A_428 = tpu.memref_slice %arg8[%dma_start3A_421] : memref<4x!tpu.dma_semaphore, #tpu.memory_space<semaphore_mem>> -> memref<1x!tpu.dma_semaphore, #tpu.memory_space<semaphore_mem>>
      %dma_start3A_429 = tpu.memref_squeeze %dma_start3A_428 : memref<1x!tpu.dma_semaphore, #tpu.memory_space<semaphore_mem>> -> memref<!tpu.dma_semaphore, #tpu.memory_space<semaphore_mem>>
      %dma_start3A_430 = arith.constant 0 : i32
      %dma_start3A_431 = tpu.memref_slice %arg4[%add3A_419, %dma_start3A_430] : memref<819200x64xf32, #tpu.memory_space<hbm>> -> memref<400x64xf32, #tpu.memory_space<hbm>>
      %dma_start3A_432 = arith.constant 0 : i32
      %dma_start3A_433 = arith.constant 0 : i32
      %dma_start3A_434 = tpu.memref_slice %arg6[%dma_start3A_420, %dma_start3A_432, %dma_start3A_433] : memref<4x400x64xf32, #tpu.memory_space<vmem>> -> memref<1x400x64xf32, #tpu.memory_space<vmem>>
      %dma_start3A_435 = tpu.memref_squeeze %dma_start3A_434 : memref<1x400x64xf32, #tpu.memory_space<vmem>> -> memref<400x64xf32, #tpu.memory_space<vmem>>
      tpu.enqueue_dma source(%dma_start3A_435 : memref<400x64xf32, #tpu.memory_space<vmem>>) target(%dma_start3A_431 : memref<400x64xf32, #tpu.memory_space<hbm>>) target_semaphore(%dma_start3A_429 : memref<!tpu.dma_semaphore, #tpu.memory_space<semaphore_mem>>)
      %add3A_436 = arith.constant 2 : i32
      %add3A_437 = arith.addi %add3A_402, %add3A_436 : i32
      %sub3A_438 = arith.constant 4 : i32
      %sub3A_439 = arith.subi %add3A_437, %sub3A_438 : i32
      %mul3A_440 = arith.constant 400 : i32
      %mul3A_441 = arith.muli %sub3A_439, %mul3A_440 : i32
      %add3A_442 = arith.addi %mul3A_2, %mul3A_441 : i32
      %dma_wait3A_443 = arith.constant 2 : i32
      %dma_wait3A_444 = arith.constant 2 : i32
      %dma_wait3A_445 = arith.constant 0 : i32
      %dma_wait3A_446 = arith.constant 0 : i32
      %dma_wait3A_447 = tpu.memref_slice %arg6[%dma_wait3A_443, %dma_wait3A_445, %dma_wait3A_446] : memref<4x400x64xf32, #tpu.memory_space<vmem>> -> memref<1x400x64xf32, #tpu.memory_space<vmem>>
      %dma_wait3A_448 = tpu.memref_squeeze %dma_wait3A_447 : memref<1x400x64xf32, #tpu.memory_space<vmem>> -> memref<400x64xf32, #tpu.memory_space<vmem>>
      %dma_wait3A_449 = arith.constant 0 : i32
      %dma_wait3A_450 = tpu.memref_slice %arg4[%add3A_442, %dma_wait3A_449] : memref<819200x64xf32, #tpu.memory_space<hbm>> -> memref<400x64xf32, #tpu.memory_space<hbm>>
      %dma_wait3A_451 = tpu.memref_slice %arg8[%dma_wait3A_444] : memref<4x!tpu.dma_semaphore, #tpu.memory_space<semaphore_mem>> -> memref<1x!tpu.dma_semaphore, #tpu.memory_space<semaphore_mem>>
      %dma_wait3A_452 = tpu.memref_squeeze %dma_wait3A_451 : memref<1x!tpu.dma_semaphore, #tpu.memory_space<semaphore_mem>> -> memref<!tpu.dma_semaphore, #tpu.memory_space<semaphore_mem>>
      %dma_wait3A_453 = arith.constant 0 : i32
      %dma_wait3A_454 = tpu.memref_slice %arg4[%add3A_442, %dma_wait3A_453] : memref<819200x64xf32, #tpu.memory_space<hbm>> -> memref<400x64xf32, #tpu.memory_space<hbm>>
      %dma_wait3A_455 = arith.constant 0 : i32
      %dma_wait3A_456 = arith.constant 0 : i32
      %dma_wait3A_457 = tpu.memref_slice %arg6[%dma_wait3A_443, %dma_wait3A_455, %dma_wait3A_456] : memref<4x400x64xf32, #tpu.memory_space<vmem>> -> memref<1x400x64xf32, #tpu.memory_space<vmem>>
      %dma_wait3A_458 = tpu.memref_squeeze %dma_wait3A_457 : memref<1x400x64xf32, #tpu.memory_space<vmem>> -> memref<400x64xf32, #tpu.memory_space<vmem>>
      tpu.wait_dma2 semaphore(%dma_wait3A_452 : memref<!tpu.dma_semaphore, #tpu.memory_space<semaphore_mem>>) src(%dma_wait3A_458 : memref<400x64xf32, #tpu.memory_space<vmem>>) dst(%dma_wait3A_454 : memref<400x64xf32, #tpu.memory_space<hbm>>)
      %mul3A_459 = arith.constant 400 : i32
      %mul3A_460 = arith.muli %add3A_437, %mul3A_459 : i32
      %dma_start3A_461 = arith.constant 2 : i32
      %dma_start3A_462 = arith.constant 2 : i32
      %dma_start3A_463 = arith.constant 0 : i32
      %dma_start3A_464 = arith.constant 0 : i32
      %dma_start3A_465 = tpu.memref_slice %arg6[%dma_start3A_461, %dma_start3A_463, %dma_start3A_464] : memref<4x400x64xf32, #tpu.memory_space<vmem>> -> memref<1x400x64xf32, #tpu.memory_space<vmem>>
      %dma_start3A_466 = tpu.memref_squeeze %dma_start3A_465 : memref<1x400x64xf32, #tpu.memory_space<vmem>> -> memref<400x64xf32, #tpu.memory_space<vmem>>
      %dma_start3A_467 = tpu.memref_slice %arg5[%mul3A_460] : memref<25600xi32, #tpu.memory_space<vmem>> -> memref<400xi32, #tpu.memory_space<vmem>>
      %dma_start3A_468 = arith.constant 0 : i32
      %dma_start3A_469 = arith.constant 0 : i32
      %dma_start3A_470 = tpu.memref_slice %arg3[%dma_start3A_468, %dma_start3A_469] : memref<1000000x64xf32, #tpu.memory_space<hbm>> -> memref<1000000x64xf32, #tpu.memory_space<hbm>>
      %dma_start3A_471 = tpu.memref_slice %arg7[%dma_start3A_462] : memref<4x!tpu.dma_semaphore, #tpu.memory_space<semaphore_mem>> -> memref<1x!tpu.dma_semaphore, #tpu.memory_space<semaphore_mem>>
      %dma_start3A_472 = tpu.memref_squeeze %dma_start3A_471 : memref<1x!tpu.dma_semaphore, #tpu.memory_space<semaphore_mem>> -> memref<!tpu.dma_semaphore, #tpu.memory_space<semaphore_mem>>
      tpu.enqueue_indirect_dma source(%dma_start3A_470 : memref<1000000x64xf32, #tpu.memory_space<hbm>>) target(%dma_start3A_466 : memref<400x64xf32, #tpu.memory_space<vmem>>) offsets(%dma_start3A_467 : memref<400xi32, #tpu.memory_space<vmem>>) semaphore(%dma_start3A_472 : memref<!tpu.dma_semaphore, #tpu.memory_space<semaphore_mem>>)
      %add3A_473 = arith.constant 3 : i32
      %add3A_474 = arith.addi %add3A_257, %add3A_473 : i32
      %mul3A_475 = arith.constant 400 : i32
      %mul3A_476 = arith.muli %add3A_474, %mul3A_475 : i32
      %dma_wait3A_477 = arith.constant 1 : i32
      %dma_wait3A_478 = arith.constant 1 : i32
      %dma_wait3A_479 = arith.constant 0 : i32
      %dma_wait3A_480 = arith.constant 0 : i32
      %dma_wait3A_481 = tpu.memref_slice %arg6[%dma_wait3A_477, %dma_wait3A_479, %dma_wait3A_480] : memref<4x400x64xf32, #tpu.memory_space<vmem>> -> memref<1x400x64xf32, #tpu.memory_space<vmem>>
      %dma_wait3A_482 = tpu.memref_squeeze %dma_wait3A_481 : memref<1x400x64xf32, #tpu.memory_space<vmem>> -> memref<400x64xf32, #tpu.memory_space<vmem>>
      %dma_wait3A_483 = tpu.memref_slice %arg5[%mul3A_476] : memref<25600xi32, #tpu.memory_space<vmem>> -> memref<400xi32, #tpu.memory_space<vmem>>
      %dma_wait3A_484 = arith.constant 0 : i32
      %dma_wait3A_485 = arith.constant 0 : i32
      %dma_wait3A_486 = tpu.memref_slice %arg3[%dma_wait3A_484, %dma_wait3A_485] : memref<1000000x64xf32, #tpu.memory_space<hbm>> -> memref<1000000x64xf32, #tpu.memory_space<hbm>>
      %dma_wait3A_487 = tpu.memref_slice %arg7[%dma_wait3A_478] : memref<4x!tpu.dma_semaphore, #tpu.memory_space<semaphore_mem>> -> memref<1x!tpu.dma_semaphore, #tpu.memory_space<semaphore_mem>>
      %dma_wait3A_488 = tpu.memref_squeeze %dma_wait3A_487 : memref<1x!tpu.dma_semaphore, #tpu.memory_space<semaphore_mem>> -> memref<!tpu.dma_semaphore, #tpu.memory_space<semaphore_mem>>
      tpu.wait_indirect_dma semaphore(%dma_wait3A_488 : memref<!tpu.dma_semaphore, #tpu.memory_space<semaphore_mem>>) src(%dma_wait3A_486 : memref<1000000x64xf32, #tpu.memory_space<hbm>>) dst(%dma_wait3A_482 : memref<400x64xf32, #tpu.memory_space<vmem>>)
      %mul3A_489 = arith.constant 400 : i32
      %mul3A_490 = arith.muli %add3A_474, %mul3A_489 : i32
      %add3A_491 = arith.addi %mul3A_2, %mul3A_490 : i32
      %dma_start3A_492 = arith.constant 1 : i32
      %dma_start3A_493 = arith.constant 1 : i32
      %dma_start3A_494 = arith.constant 0 : i32
      %dma_start3A_495 = arith.constant 0 : i32
      %dma_start3A_496 = tpu.memref_slice %arg6[%dma_start3A_492, %dma_start3A_494, %dma_start3A_495] : memref<4x400x64xf32, #tpu.memory_space<vmem>> -> memref<1x400x64xf32, #tpu.memory_space<vmem>>
      %dma_start3A_497 = tpu.memref_squeeze %dma_start3A_496 : memref<1x400x64xf32, #tpu.memory_space<vmem>> -> memref<400x64xf32, #tpu.memory_space<vmem>>
      %dma_start3A_498 = arith.constant 0 : i32
      %dma_start3A_499 = tpu.memref_slice %arg4[%add3A_491, %dma_start3A_498] : memref<819200x64xf32, #tpu.memory_space<hbm>> -> memref<400x64xf32, #tpu.memory_space<hbm>>
      %dma_start3A_500 = tpu.memref_slice %arg8[%dma_start3A_493] : memref<4x!tpu.dma_semaphore, #tpu.memory_space<semaphore_mem>> -> memref<1x!tpu.dma_semaphore, #tpu.memory_space<semaphore_mem>>
      %dma_start3A_501 = tpu.memref_squeeze %dma_start3A_500 : memref<1x!tpu.dma_semaphore, #tpu.memory_space<semaphore_mem>> -> memref<!tpu.dma_semaphore, #tpu.memory_space<semaphore_mem>>
      %dma_start3A_502 = arith.constant 0 : i32
      %dma_start3A_503 = tpu.memref_slice %arg4[%add3A_491, %dma_start3A_502] : memref<819200x64xf32, #tpu.memory_space<hbm>> -> memref<400x64xf32, #tpu.memory_space<hbm>>
      %dma_start3A_504 = arith.constant 0 : i32
      %dma_start3A_505 = arith.constant 0 : i32
      %dma_start3A_506 = tpu.memref_slice %arg6[%dma_start3A_492, %dma_start3A_504, %dma_start3A_505] : memref<4x400x64xf32, #tpu.memory_space<vmem>> -> memref<1x400x64xf32, #tpu.memory_space<vmem>>
      %dma_start3A_507 = tpu.memref_squeeze %dma_start3A_506 : memref<1x400x64xf32, #tpu.memory_space<vmem>> -> memref<400x64xf32, #tpu.memory_space<vmem>>
      tpu.enqueue_dma source(%dma_start3A_507 : memref<400x64xf32, #tpu.memory_space<vmem>>) target(%dma_start3A_503 : memref<400x64xf32, #tpu.memory_space<hbm>>) target_semaphore(%dma_start3A_501 : memref<!tpu.dma_semaphore, #tpu.memory_space<semaphore_mem>>)
      %add3A_508 = arith.constant 2 : i32
      %add3A_509 = arith.addi %add3A_474, %add3A_508 : i32
      %sub3A_510 = arith.constant 4 : i32
      %sub3A_511 = arith.subi %add3A_509, %sub3A_510 : i32
      %mul3A_512 = arith.constant 400 : i32
      %mul3A_513 = arith.muli %sub3A_511, %mul3A_512 : i32
      %add3A_514 = arith.addi %mul3A_2, %mul3A_513 : i32
      %dma_wait3A_515 = arith.constant 3 : i32
      %dma_wait3A_516 = arith.constant 3 : i32
      %dma_wait3A_517 = arith.constant 0 : i32
      %dma_wait3A_518 = arith.constant 0 : i32
      %dma_wait3A_519 = tpu.memref_slice %arg6[%dma_wait3A_515, %dma_wait3A_517, %dma_wait3A_518] : memref<4x400x64xf32, #tpu.memory_space<vmem>> -> memref<1x400x64xf32, #tpu.memory_space<vmem>>
      %dma_wait3A_520 = tpu.memref_squeeze %dma_wait3A_519 : memref<1x400x64xf32, #tpu.memory_space<vmem>> -> memref<400x64xf32, #tpu.memory_space<vmem>>
      %dma_wait3A_521 = arith.constant 0 : i32
      %dma_wait3A_522 = tpu.memref_slice %arg4[%add3A_514, %dma_wait3A_521] : memref<819200x64xf32, #tpu.memory_space<hbm>> -> memref<400x64xf32, #tpu.memory_space<hbm>>
      %dma_wait3A_523 = tpu.memref_slice %arg8[%dma_wait3A_516] : memref<4x!tpu.dma_semaphore, #tpu.memory_space<semaphore_mem>> -> memref<1x!tpu.dma_semaphore, #tpu.memory_space<semaphore_mem>>
      %dma_wait3A_524 = tpu.memref_squeeze %dma_wait3A_523 : memref<1x!tpu.dma_semaphore, #tpu.memory_space<semaphore_mem>> -> memref<!tpu.dma_semaphore, #tpu.memory_space<semaphore_mem>>
      %dma_wait3A_525 = arith.constant 0 : i32
      %dma_wait3A_526 = tpu.memref_slice %arg4[%add3A_514, %dma_wait3A_525] : memref<819200x64xf32, #tpu.memory_space<hbm>> -> memref<400x64xf32, #tpu.memory_space<hbm>>
      %dma_wait3A_527 = arith.constant 0 : i32
      %dma_wait3A_528 = arith.constant 0 : i32
      %dma_wait3A_529 = tpu.memref_slice %arg6[%dma_wait3A_515, %dma_wait3A_527, %dma_wait3A_528] : memref<4x400x64xf32, #tpu.memory_space<vmem>> -> memref<1x400x64xf32, #tpu.memory_space<vmem>>
      %dma_wait3A_530 = tpu.memref_squeeze %dma_wait3A_529 : memref<1x400x64xf32, #tpu.memory_space<vmem>> -> memref<400x64xf32, #tpu.memory_space<vmem>>
      tpu.wait_dma2 semaphore(%dma_wait3A_524 : memref<!tpu.dma_semaphore, #tpu.memory_space<semaphore_mem>>) src(%dma_wait3A_530 : memref<400x64xf32, #tpu.memory_space<vmem>>) dst(%dma_wait3A_526 : memref<400x64xf32, #tpu.memory_space<hbm>>)
      %mul3A_531 = arith.constant 400 : i32
      %mul3A_532 = arith.muli %add3A_509, %mul3A_531 : i32
      %dma_start3A_533 = arith.constant 3 : i32
      %dma_start3A_534 = arith.constant 3 : i32
      %dma_start3A_535 = arith.constant 0 : i32
      %dma_start3A_536 = arith.constant 0 : i32
      %dma_start3A_537 = tpu.memref_slice %arg6[%dma_start3A_533, %dma_start3A_535, %dma_start3A_536] : memref<4x400x64xf32, #tpu.memory_space<vmem>> -> memref<1x400x64xf32, #tpu.memory_space<vmem>>
      %dma_start3A_538 = tpu.memref_squeeze %dma_start3A_537 : memref<1x400x64xf32, #tpu.memory_space<vmem>> -> memref<400x64xf32, #tpu.memory_space<vmem>>
      %dma_start3A_539 = tpu.memref_slice %arg5[%mul3A_532] : memref<25600xi32, #tpu.memory_space<vmem>> -> memref<400xi32, #tpu.memory_space<vmem>>
      %dma_start3A_540 = arith.constant 0 : i32
      %dma_start3A_541 = arith.constant 0 : i32
      %dma_start3A_542 = tpu.memref_slice %arg3[%dma_start3A_540, %dma_start3A_541] : memref<1000000x64xf32, #tpu.memory_space<hbm>> -> memref<1000000x64xf32, #tpu.memory_space<hbm>>
      %dma_start3A_543 = tpu.memref_slice %arg7[%dma_start3A_534] : memref<4x!tpu.dma_semaphore, #tpu.memory_space<semaphore_mem>> -> memref<1x!tpu.dma_semaphore, #tpu.memory_space<semaphore_mem>>
      %dma_start3A_544 = tpu.memref_squeeze %dma_start3A_543 : memref<1x!tpu.dma_semaphore, #tpu.memory_space<semaphore_mem>> -> memref<!tpu.dma_semaphore, #tpu.memory_space<semaphore_mem>>
      tpu.enqueue_indirect_dma source(%dma_start3A_542 : memref<1000000x64xf32, #tpu.memory_space<hbm>>) target(%dma_start3A_538 : memref<400x64xf32, #tpu.memory_space<vmem>>) offsets(%dma_start3A_539 : memref<400xi32, #tpu.memory_space<vmem>>) semaphore(%dma_start3A_544 : memref<!tpu.dma_semaphore, #tpu.memory_space<semaphore_mem>>)
    }
    %scan3A_118 = arith.constant 15 : i32
    %dma_wait3A_119 = arith.constant 2 : i32
    %dma_wait3A_120 = arith.constant 2 : i32
    %dma_wait3A_121 = arith.constant 0 : i32
    %dma_wait3A_122 = arith.constant 0 : i32
    %dma_wait3A_123 = tpu.memref_slice %arg6[%dma_wait3A_119, %dma_wait3A_121, %dma_wait3A_122] : memref<4x400x64xf32, #tpu.memory_space<vmem>> -> memref<1x400x64xf32, #tpu.memory_space<vmem>>
    %dma_wait3A_124 = tpu.memref_squeeze %dma_wait3A_123 : memref<1x400x64xf32, #tpu.memory_space<vmem>> -> memref<400x64xf32, #tpu.memory_space<vmem>>
    %dma_wait3A_125 = arith.constant 24800 : i32
    %dma_wait3A_126 = tpu.memref_slice %arg5[%dma_wait3A_125] : memref<25600xi32, #tpu.memory_space<vmem>> -> memref<400xi32, #tpu.memory_space<vmem>>
    %dma_wait3A_127 = arith.constant 0 : i32
    %dma_wait3A_128 = arith.constant 0 : i32
    %dma_wait3A_129 = tpu.memref_slice %arg3[%dma_wait3A_127, %dma_wait3A_128] : memref<1000000x64xf32, #tpu.memory_space<hbm>> -> memref<1000000x64xf32, #tpu.memory_space<hbm>>
    %dma_wait3A_130 = tpu.memref_slice %arg7[%dma_wait3A_120] : memref<4x!tpu.dma_semaphore, #tpu.memory_space<semaphore_mem>> -> memref<1x!tpu.dma_semaphore, #tpu.memory_space<semaphore_mem>>
    %dma_wait3A_131 = tpu.memref_squeeze %dma_wait3A_130 : memref<1x!tpu.dma_semaphore, #tpu.memory_space<semaphore_mem>> -> memref<!tpu.dma_semaphore, #tpu.memory_space<semaphore_mem>>
    tpu.wait_indirect_dma semaphore(%dma_wait3A_131 : memref<!tpu.dma_semaphore, #tpu.memory_space<semaphore_mem>>) src(%dma_wait3A_129 : memref<1000000x64xf32, #tpu.memory_space<hbm>>) dst(%dma_wait3A_124 : memref<400x64xf32, #tpu.memory_space<vmem>>)
    %add3A_132 = arith.constant 24800 : i32
    %add3A_133 = arith.addi %mul3A_2, %add3A_132 : i32
    %dma_start3A_134 = arith.constant 2 : i32
    %dma_start3A_135 = arith.constant 2 : i32
    %dma_start3A_136 = arith.constant 0 : i32
    %dma_start3A_137 = arith.constant 0 : i32
    %dma_start3A_138 = tpu.memref_slice %arg6[%dma_start3A_134, %dma_start3A_136, %dma_start3A_137] : memref<4x400x64xf32, #tpu.memory_space<vmem>> -> memref<1x400x64xf32, #tpu.memory_space<vmem>>
    %dma_start3A_139 = tpu.memref_squeeze %dma_start3A_138 : memref<1x400x64xf32, #tpu.memory_space<vmem>> -> memref<400x64xf32, #tpu.memory_space<vmem>>
    %dma_start3A_140 = arith.constant 0 : i32
    %dma_start3A_141 = tpu.memref_slice %arg4[%add3A_133, %dma_start3A_140] : memref<819200x64xf32, #tpu.memory_space<hbm>> -> memref<400x64xf32, #tpu.memory_space<hbm>>
    %dma_start3A_142 = tpu.memref_slice %arg8[%dma_start3A_135] : memref<4x!tpu.dma_semaphore, #tpu.memory_space<semaphore_mem>> -> memref<1x!tpu.dma_semaphore, #tpu.memory_space<semaphore_mem>>
    %dma_start3A_143 = tpu.memref_squeeze %dma_start3A_142 : memref<1x!tpu.dma_semaphore, #tpu.memory_space<semaphore_mem>> -> memref<!tpu.dma_semaphore, #tpu.memory_space<semaphore_mem>>
    %dma_start3A_144 = arith.constant 0 : i32
    %dma_start3A_145 = tpu.memref_slice %arg4[%add3A_133, %dma_start3A_144] : memref<819200x64xf32, #tpu.memory_space<hbm>> -> memref<400x64xf32, #tpu.memory_space<hbm>>
    %dma_start3A_146 = arith.constant 0 : i32
    %dma_start3A_147 = arith.constant 0 : i32
    %dma_start3A_148 = tpu.memref_slice %arg6[%dma_start3A_134, %dma_start3A_146, %dma_start3A_147] : memref<4x400x64xf32, #tpu.memory_space<vmem>> -> memref<1x400x64xf32, #tpu.memory_space<vmem>>
    %dma_start3A_149 = tpu.memref_squeeze %dma_start3A_148 : memref<1x400x64xf32, #tpu.memory_space<vmem>> -> memref<400x64xf32, #tpu.memory_space<vmem>>
    tpu.enqueue_dma source(%dma_start3A_149 : memref<400x64xf32, #tpu.memory_space<vmem>>) target(%dma_start3A_145 : memref<400x64xf32, #tpu.memory_space<hbm>>) target_semaphore(%dma_start3A_143 : memref<!tpu.dma_semaphore, #tpu.memory_space<semaphore_mem>>)
    %dma_wait3A_150 = arith.constant 3 : i32
    %dma_wait3A_151 = arith.constant 3 : i32
    %dma_wait3A_152 = arith.constant 0 : i32
    %dma_wait3A_153 = arith.constant 0 : i32
    %dma_wait3A_154 = tpu.memref_slice %arg6[%dma_wait3A_150, %dma_wait3A_152, %dma_wait3A_153] : memref<4x400x64xf32, #tpu.memory_space<vmem>> -> memref<1x400x64xf32, #tpu.memory_space<vmem>>
    %dma_wait3A_155 = tpu.memref_squeeze %dma_wait3A_154 : memref<1x400x64xf32, #tpu.memory_space<vmem>> -> memref<400x64xf32, #tpu.memory_space<vmem>>
    %dma_wait3A_156 = arith.constant 25200 : i32
    %dma_wait3A_157 = tpu.memref_slice %arg5[%dma_wait3A_156] : memref<25600xi32, #tpu.memory_space<vmem>> -> memref<400xi32, #tpu.memory_space<vmem>>
    %dma_wait3A_158 = arith.constant 0 : i32
    %dma_wait3A_159 = arith.constant 0 : i32
    %dma_wait3A_160 = tpu.memref_slice %arg3[%dma_wait3A_158, %dma_wait3A_159] : memref<1000000x64xf32, #tpu.memory_space<hbm>> -> memref<1000000x64xf32, #tpu.memory_space<hbm>>
    %dma_wait3A_161 = tpu.memref_slice %arg7[%dma_wait3A_151] : memref<4x!tpu.dma_semaphore, #tpu.memory_space<semaphore_mem>> -> memref<1x!tpu.dma_semaphore, #tpu.memory_space<semaphore_mem>>
    %dma_wait3A_162 = tpu.memref_squeeze %dma_wait3A_161 : memref<1x!tpu.dma_semaphore, #tpu.memory_space<semaphore_mem>> -> memref<!tpu.dma_semaphore, #tpu.memory_space<semaphore_mem>>
    tpu.wait_indirect_dma semaphore(%dma_wait3A_162 : memref<!tpu.dma_semaphore, #tpu.memory_space<semaphore_mem>>) src(%dma_wait3A_160 : memref<1000000x64xf32, #tpu.memory_space<hbm>>) dst(%dma_wait3A_155 : memref<400x64xf32, #tpu.memory_space<vmem>>)
    %add3A_163 = arith.constant 25200 : i32
    %add3A_164 = arith.addi %mul3A_2, %add3A_163 : i32
    %dma_start3A_165 = arith.constant 3 : i32
    %dma_start3A_166 = arith.constant 3 : i32
    %dma_start3A_167 = arith.constant 0 : i32
    %dma_start3A_168 = arith.constant 0 : i32
    %dma_start3A_169 = tpu.memref_slice %arg6[%dma_start3A_165, %dma_start3A_167, %dma_start3A_168] : memref<4x400x64xf32, #tpu.memory_space<vmem>> -> memref<1x400x64xf32, #tpu.memory_space<vmem>>
    %dma_start3A_170 = tpu.memref_squeeze %dma_start3A_169 : memref<1x400x64xf32, #tpu.memory_space<vmem>> -> memref<400x64xf32, #tpu.memory_space<vmem>>
    %dma_start3A_171 = arith.constant 0 : i32
    %dma_start3A_172 = tpu.memref_slice %arg4[%add3A_164, %dma_start3A_171] : memref<819200x64xf32, #tpu.memory_space<hbm>> -> memref<400x64xf32, #tpu.memory_space<hbm>>
    %dma_start3A_173 = tpu.memref_slice %arg8[%dma_start3A_166] : memref<4x!tpu.dma_semaphore, #tpu.memory_space<semaphore_mem>> -> memref<1x!tpu.dma_semaphore, #tpu.memory_space<semaphore_mem>>
    %dma_start3A_174 = tpu.memref_squeeze %dma_start3A_173 : memref<1x!tpu.dma_semaphore, #tpu.memory_space<semaphore_mem>> -> memref<!tpu.dma_semaphore, #tpu.memory_space<semaphore_mem>>
    %dma_start3A_175 = arith.constant 0 : i32
    %dma_start3A_176 = tpu.memref_slice %arg4[%add3A_164, %dma_start3A_175] : memref<819200x64xf32, #tpu.memory_space<hbm>> -> memref<400x64xf32, #tpu.memory_space<hbm>>
    %dma_start3A_177 = arith.constant 0 : i32
    %dma_start3A_178 = arith.constant 0 : i32
    %dma_start3A_179 = tpu.memref_slice %arg6[%dma_start3A_165, %dma_start3A_177, %dma_start3A_178] : memref<4x400x64xf32, #tpu.memory_space<vmem>> -> memref<1x400x64xf32, #tpu.memory_space<vmem>>
    %dma_start3A_180 = tpu.memref_squeeze %dma_start3A_179 : memref<1x400x64xf32, #tpu.memory_space<vmem>> -> memref<400x64xf32, #tpu.memory_space<vmem>>
    tpu.enqueue_dma source(%dma_start3A_180 : memref<400x64xf32, #tpu.memory_space<vmem>>) target(%dma_start3A_176 : memref<400x64xf32, #tpu.memory_space<hbm>>) target_semaphore(%dma_start3A_174 : memref<!tpu.dma_semaphore, #tpu.memory_space<semaphore_mem>>)
    %add3A_181 = arith.constant 24000 : i32
    %add3A_182 = arith.addi %mul3A_2, %add3A_181 : i32
    %dma_wait3A_183 = arith.constant 0 : i32
    %dma_wait3A_184 = arith.constant 0 : i32
    %dma_wait3A_185 = arith.constant 0 : i32
    %dma_wait3A_186 = arith.constant 0 : i32
    %dma_wait3A_187 = tpu.memref_slice %arg6[%dma_wait3A_183, %dma_wait3A_185, %dma_wait3A_186] : memref<4x400x64xf32, #tpu.memory_space<vmem>> -> memref<1x400x64xf32, #tpu.memory_space<vmem>>
    %dma_wait3A_188 = tpu.memref_squeeze %dma_wait3A_187 : memref<1x400x64xf32, #tpu.memory_space<vmem>> -> memref<400x64xf32, #tpu.memory_space<vmem>>
    %dma_wait3A_189 = arith.constant 0 : i32
    %dma_wait3A_190 = tpu.memref_slice %arg4[%add3A_182, %dma_wait3A_189] : memref<819200x64xf32, #tpu.memory_space<hbm>> -> memref<400x64xf32, #tpu.memory_space<hbm>>
    %dma_wait3A_191 = tpu.memref_slice %arg8[%dma_wait3A_184] : memref<4x!tpu.dma_semaphore, #tpu.memory_space<semaphore_mem>> -> memref<1x!tpu.dma_semaphore, #tpu.memory_space<semaphore_mem>>
    %dma_wait3A_192 = tpu.memref_squeeze %dma_wait3A_191 : memref<1x!tpu.dma_semaphore, #tpu.memory_space<semaphore_mem>> -> memref<!tpu.dma_semaphore, #tpu.memory_space<semaphore_mem>>
    %dma_wait3A_193 = arith.constant 0 : i32
    %dma_wait3A_194 = tpu.memref_slice %arg4[%add3A_182, %dma_wait3A_193] : memref<819200x64xf32, #tpu.memory_space<hbm>> -> memref<400x64xf32, #tpu.memory_space<hbm>>
    %dma_wait3A_195 = arith.constant 0 : i32
    %dma_wait3A_196 = arith.constant 0 : i32
    %dma_wait3A_197 = tpu.memref_slice %arg6[%dma_wait3A_183, %dma_wait3A_195, %dma_wait3A_196] : memref<4x400x64xf32, #tpu.memory_space<vmem>> -> memref<1x400x64xf32, #tpu.memory_space<vmem>>
    %dma_wait3A_198 = tpu.memref_squeeze %dma_wait3A_197 : memref<1x400x64xf32, #tpu.memory_space<vmem>> -> memref<400x64xf32, #tpu.memory_space<vmem>>
    tpu.wait_dma2 semaphore(%dma_wait3A_192 : memref<!tpu.dma_semaphore, #tpu.memory_space<semaphore_mem>>) src(%dma_wait3A_198 : memref<400x64xf32, #tpu.memory_space<vmem>>) dst(%dma_wait3A_194 : memref<400x64xf32, #tpu.memory_space<hbm>>)
    %add3A_199 = arith.constant 24400 : i32
    %add3A_200 = arith.addi %mul3A_2, %add3A_199 : i32
    %dma_wait3A_201 = arith.constant 1 : i32
    %dma_wait3A_202 = arith.constant 1 : i32
    %dma_wait3A_203 = arith.constant 0 : i32
    %dma_wait3A_204 = arith.constant 0 : i32
    %dma_wait3A_205 = tpu.memref_slice %arg6[%dma_wait3A_201, %dma_wait3A_203, %dma_wait3A_204] : memref<4x400x64xf32, #tpu.memory_space<vmem>> -> memref<1x400x64xf32, #tpu.memory_space<vmem>>
    %dma_wait3A_206 = tpu.memref_squeeze %dma_wait3A_205 : memref<1x400x64xf32, #tpu.memory_space<vmem>> -> memref<400x64xf32, #tpu.memory_space<vmem>>
    %dma_wait3A_207 = arith.constant 0 : i32
    %dma_wait3A_208 = tpu.memref_slice %arg4[%add3A_200, %dma_wait3A_207] : memref<819200x64xf32, #tpu.memory_space<hbm>> -> memref<400x64xf32, #tpu.memory_space<hbm>>
    %dma_wait3A_209 = tpu.memref_slice %arg8[%dma_wait3A_202] : memref<4x!tpu.dma_semaphore, #tpu.memory_space<semaphore_mem>> -> memref<1x!tpu.dma_semaphore, #tpu.memory_space<semaphore_mem>>
    %dma_wait3A_210 = tpu.memref_squeeze %dma_wait3A_209 : memref<1x!tpu.dma_semaphore, #tpu.memory_space<semaphore_mem>> -> memref<!tpu.dma_semaphore, #tpu.memory_space<semaphore_mem>>
    %dma_wait3A_211 = arith.constant 0 : i32
    %dma_wait3A_212 = tpu.memref_slice %arg4[%add3A_200, %dma_wait3A_211] : memref<819200x64xf32, #tpu.memory_space<hbm>> -> memref<400x64xf32, #tpu.memory_space<hbm>>
    %dma_wait3A_213 = arith.constant 0 : i32
    %dma_wait3A_214 = arith.constant 0 : i32
    %dma_wait3A_215 = tpu.memref_slice %arg6[%dma_wait3A_201, %dma_wait3A_213, %dma_wait3A_214] : memref<4x400x64xf32, #tpu.memory_space<vmem>> -> memref<1x400x64xf32, #tpu.memory_space<vmem>>
    %dma_wait3A_216 = tpu.memref_squeeze %dma_wait3A_215 : memref<1x400x64xf32, #tpu.memory_space<vmem>> -> memref<400x64xf32, #tpu.memory_space<vmem>>
    tpu.wait_dma2 semaphore(%dma_wait3A_210 : memref<!tpu.dma_semaphore, #tpu.memory_space<semaphore_mem>>) src(%dma_wait3A_216 : memref<400x64xf32, #tpu.memory_space<vmem>>) dst(%dma_wait3A_212 : memref<400x64xf32, #tpu.memory_space<hbm>>)
    %add3A_217 = arith.constant 24800 : i32
    %add3A_218 = arith.addi %mul3A_2, %add3A_217 : i32
    %dma_wait3A_219 = arith.constant 2 : i32
    %dma_wait3A_220 = arith.constant 2 : i32
    %dma_wait3A_221 = arith.constant 0 : i32
    %dma_wait3A_222 = arith.constant 0 : i32
    %dma_wait3A_223 = tpu.memref_slice %arg6[%dma_wait3A_219, %dma_wait3A_221, %dma_wait3A_222] : memref<4x400x64xf32, #tpu.memory_space<vmem>> -> memref<1x400x64xf32, #tpu.memory_space<vmem>>
    %dma_wait3A_224 = tpu.memref_squeeze %dma_wait3A_223 : memref<1x400x64xf32, #tpu.memory_space<vmem>> -> memref<400x64xf32, #tpu.memory_space<vmem>>
    %dma_wait3A_225 = arith.constant 0 : i32
    %dma_wait3A_226 = tpu.memref_slice %arg4[%add3A_218, %dma_wait3A_225] : memref<819200x64xf32, #tpu.memory_space<hbm>> -> memref<400x64xf32, #tpu.memory_space<hbm>>
    %dma_wait3A_227 = tpu.memref_slice %arg8[%dma_wait3A_220] : memref<4x!tpu.dma_semaphore, #tpu.memory_space<semaphore_mem>> -> memref<1x!tpu.dma_semaphore, #tpu.memory_space<semaphore_mem>>
    %dma_wait3A_228 = tpu.memref_squeeze %dma_wait3A_227 : memref<1x!tpu.dma_semaphore, #tpu.memory_space<semaphore_mem>> -> memref<!tpu.dma_semaphore, #tpu.memory_space<semaphore_mem>>
    %dma_wait3A_229 = arith.constant 0 : i32
    %dma_wait3A_230 = tpu.memref_slice %arg4[%add3A_218, %dma_wait3A_229] : memref<819200x64xf32, #tpu.memory_space<hbm>> -> memref<400x64xf32, #tpu.memory_space<hbm>>
    %dma_wait3A_231 = arith.constant 0 : i32
    %dma_wait3A_232 = arith.constant 0 : i32
    %dma_wait3A_233 = tpu.memref_slice %arg6[%dma_wait3A_219, %dma_wait3A_231, %dma_wait3A_232] : memref<4x400x64xf32, #tpu.memory_space<vmem>> -> memref<1x400x64xf32, #tpu.memory_space<vmem>>
    %dma_wait3A_234 = tpu.memref_squeeze %dma_wait3A_233 : memref<1x400x64xf32, #tpu.memory_space<vmem>> -> memref<400x64xf32, #tpu.memory_space<vmem>>
    tpu.wait_dma2 semaphore(%dma_wait3A_228 : memref<!tpu.dma_semaphore, #tpu.memory_space<semaphore_mem>>) src(%dma_wait3A_234 : memref<400x64xf32, #tpu.memory_space<vmem>>) dst(%dma_wait3A_230 : memref<400x64xf32, #tpu.memory_space<hbm>>)
    %add3A_235 = arith.constant 25200 : i32
    %add3A_236 = arith.addi %mul3A_2, %add3A_235 : i32
    %dma_wait3A_237 = arith.constant 3 : i32
    %dma_wait3A_238 = arith.constant 3 : i32
    %dma_wait3A_239 = arith.constant 0 : i32
    %dma_wait3A_240 = arith.constant 0 : i32
    %dma_wait3A_241 = tpu.memref_slice %arg6[%dma_wait3A_237, %dma_wait3A_239, %dma_wait3A_240] : memref<4x400x64xf32, #tpu.memory_space<vmem>> -> memref<1x400x64xf32, #tpu.memory_space<vmem>>
    %dma_wait3A_242 = tpu.memref_squeeze %dma_wait3A_241 : memref<1x400x64xf32, #tpu.memory_space<vmem>> -> memref<400x64xf32, #tpu.memory_space<vmem>>
    %dma_wait3A_243 = arith.constant 0 : i32
    %dma_wait3A_244 = tpu.memref_slice %arg4[%add3A_236, %dma_wait3A_243] : memref<819200x64xf32, #tpu.memory_space<hbm>> -> memref<400x64xf32, #tpu.memory_space<hbm>>
    %dma_wait3A_245 = tpu.memref_slice %arg8[%dma_wait3A_238] : memref<4x!tpu.dma_semaphore, #tpu.memory_space<semaphore_mem>> -> memref<1x!tpu.dma_semaphore, #tpu.memory_space<semaphore_mem>>
    %dma_wait3A_246 = tpu.memref_squeeze %dma_wait3A_245 : memref<1x!tpu.dma_semaphore, #tpu.memory_space<semaphore_mem>> -> memref<!tpu.dma_semaphore, #tpu.memory_space<semaphore_mem>>
    %dma_wait3A_247 = arith.constant 0 : i32
    %dma_wait3A_248 = tpu.memref_slice %arg4[%add3A_236, %dma_wait3A_247] : memref<819200x64xf32, #tpu.memory_space<hbm>> -> memref<400x64xf32, #tpu.memory_space<hbm>>
    %dma_wait3A_249 = arith.constant 0 : i32
    %dma_wait3A_250 = arith.constant 0 : i32
    %dma_wait3A_251 = tpu.memref_slice %arg6[%dma_wait3A_237, %dma_wait3A_249, %dma_wait3A_250] : memref<4x400x64xf32, #tpu.memory_space<vmem>> -> memref<1x400x64xf32, #tpu.memory_space<vmem>>
    %dma_wait3A_252 = tpu.memref_squeeze %dma_wait3A_251 : memref<1x400x64xf32, #tpu.memory_space<vmem>> -> memref<400x64xf32, #tpu.memory_space<vmem>>
    tpu.wait_dma2 semaphore(%dma_wait3A_246 : memref<!tpu.dma_semaphore, #tpu.memory_space<semaphore_mem>>) src(%dma_wait3A_252 : memref<400x64xf32, #tpu.memory_space<vmem>>) dst(%dma_wait3A_248 : memref<400x64xf32, #tpu.memory_space<hbm>>)
    return
  }
}

</mosaic_0001>

<sc_bundles>
// kernel: kernel.3.cloned.1.call-start
scs
__scs_entry_jumppad:
0x0: {  	(pc) =	sbr.rel $0x88, $3  }
0x1: {  	(tag) =	ssettag $0x0;
	lr =	simm.s32 $0x1  }
0x2: {  	[smem:$0x3F9F] =	sst lr;
	_ =	strace $0xD0000000  }
0x3: {  	_ = 	snop  }
0x4: {  	_ = 	snop  }
0x5: {  	_ = 	snop  }
0x6: {  	_ = 	snop  }
0x7: {  	_ = 	snop  }
__scs_overlays_trampoline_lowered:
0x8: {  	[smem:$0x3FAE] =	sst s0  }
0x9: {  	[smem:$0x3FAF] =	sst s1  }
0xa: {  	[smem:$0x3FB0] =	sst s2  }
0xb: {  	[smem:$0x3FB1] =	sst s3  }
0xc: {  	[smem:$0x3FB2] =	sst s4  }
0xd: {  	[smem:$0x3FB3] =	sst s5  }
0xe: {  	[smem:$0x3FB4] =	sst s6  }
0xf: {  	[smem:$0x3FB5] =	sst s7  }
0x10: {  	[smem:$0x3FB6] =	sst s8  }
0x11: {  	[smem:$0x3FB7] =	sst s9;
	s0 =	simm.s32 @!p0 $0x0  }
0x12: {  	s1 =	sld [smem:$0x3F9D];
	s0 =	simm.s32 @p0 $0x1  }
0x13: {  	[smem:$0x3FB8] =	sst s0;
	s0 =	simm.s32 @!p1 $0x0  }
0x14: {  	s2 =	sld [smem:$0x3F9C];
	s0 =	simm.s32 @p1 $0x1  }
0x15: {  	[smem:$0x3FB9] =	sst s0;
	s0 =	simm.s32 @!p2 $0x0  }
0x16: {  	s3 =	sld [smem:$0x3FDB];
	s0 =	simm.s32 @p2 $0x1  }
0x17: {  	s4 =	simm.s32 $0x1BF5;
	[smem:$0x3FBB] =	sst s0  }
0x18: {  	s0 =	sld [smem:$0x3F9E];
	_ =	swait.ge [sflag:s4], $0x0  }
0x19: {  	s7 =	sld [smem:$0x3F9F]  }
0x1a: {  	s8 =	sadd.s32 $0xFFFFE003, lr  }
0x1b: {  	s9 =	sadd.s32 $0xFFFFFEF7, lr;
	s5 =	simm.s32 $0xFFFFFFFF;
	p2 =	slt.u32 s8, $0xFFFFF086  }
0x1c: {  	p1 =	slt.u32 s9, $0xF7A;
	s5 =	simm.s32 @!p2 $0x0  }
0x1d: {  	s5 =	simm.s32 @p1 $0x1;
	p0 =	seq.s32 s7, s2  }
0x1e: {  	s7 =	smul.u32 @!p0 $0xF7A, s2;
	p2 =	seq.s32 @!p0 s5, $0x0  }
0x1f: {  	s9 =	smul.u32 $0xF7A, s1;
	s8 =	simm.s32 @!p0 $0x1BF5;
	p2 =	por !p2, p0  }
0x20: {  	[sflag:s8] =	ssyncset.s32 @!p0 $0xFFFFF086;
	s6 =	sadd.s32 @!p0 s3, s7;
	s7 =	simm.s32 @!p0 $0x108  }
0x21: {  	s3 =	sadd.s32 s3, s9;
	s6 =	sadd.s32 @!p0 $0x88, s6;
	s7 =	simm.s32 @p2 $0x1082  }
0x22: {  	[simem:s7], [sflag:s8] =	dma.local @!p0 [hbm:s6], $0xF7A  }
0x23: {  	s9 =	sor.u32 $0xD0000000, s2;
	s6 =	simm.s32 $0x108;
	_ =	swait.ge @!p0 [sflag:s8], $0x0  }
0x24: {  	s3 =	sadd.s32 $0x88, s3;
	s6 =	simm.s32 @!p1 $0x1082;
	[sflag:s4] =	ssyncset.s32 $0xFFFFF086  }
0x25: {  	[simem:s6], [sflag:s4] =	dma.local [hbm:s3], $0xF7A  }
0x26: {  	[smem:$0x3F9F] =	sst s1;
	(tag) =	ssettag s2;
	_ =	strace s9  }
0x27: {  	s1 =	sld [smem:$0x3FAF]  }
0x28: {  	s2 =	sld [smem:$0x3FB0]  }
0x29: {  	s4 =	sld [smem:$0x3FB2]  }
0x2a: {  	p0 =	seq.s32 s5, $0x0;
	s5 =	sld [smem:$0x3FB3]  }
0x2b: {  	s6 =	sld [smem:$0x3FB4]  }
0x2c: {  	s7 =	sld [smem:$0x3FB5]  }
0x2d: {  	s3 =	simm.s32 $0x108;
	s8 =	sld [smem:$0x3FB6]  }
0x2e: {  	s3 =	simm.s32 @!p0 $0x1082;
	s9 =	sld [smem:$0x3FB7]  }
0x2f: {  	lr =	sadd.s32 s0, s3;
	s0 =	sld [smem:$0x3FAE]  }
0x30: {  	s3 =	sld [smem:$0x3FB1]  }
0x31: {  	[smem:$0x3FBA] =	sst s10  }
0x32: {  	s10 =	sld [smem:$0x3FB8];
	_ =	sdelay $0x3  }
0x33: {  	p0 =	seq.s32 s10, $0x1;
	s10 =	sld [smem:$0x3FBA];
	_ =	sdelay $0x3  }
0x34: {  	[smem:$0x3FBA] =	sst s10  }
0x35: {  	s10 =	sld [smem:$0x3FB9];
	_ =	sdelay $0x3  }
0x36: {  	p1 =	seq.s32 s10, $0x1;
	s10 =	sld [smem:$0x3FBA];
	_ =	sdelay $0x3  }
0x37: {  	[smem:$0x3FBA] =	sst s10  }
0x38: {  	s10 =	sld [smem:$0x3FBB]  }
0x39: {  	_ = 	snop;
	(pc) =	sbr.ind lr, $3  }
0x3a: {  	_ = 	snop  }
0x3b: {  	_ = 	snop  }
0x3c: {  	p2 =	seq.s32 s10, $0x1;
	s10 =	sld [smem:$0x3FBA]  }
0x3d: {  	_ =	shalt  }
0x3e: {  	_ =	shalt  }
0x3f: {  	_ =	shalt  }
0x40: {  	_ =	shalt  }
0x41: {  	_ =	shalt  }
0x42: {  	_ =	shalt  }
0x43: {  	_ =	shalt  }
0x44: {  	_ =	shalt  }
0x45: {  	_ =	shalt  }
0x46: {  	_ =	shalt  }
0x47: {  	_ =	shalt  }
0x48: {  	_ =	shalt  }
0x49: {  	_ =	shalt  }
0x4a: {  	_ =	shalt  }
0x4b: {  	_ =	shalt  }
0x4c: {  	_ =	shalt  }
0x4d: {  	_ =	shalt  }
0x4e: {  	_ =	shalt  }
0x4f: {  	_ =	shalt  }
0x50: {  	_ =	shalt  }
0x51: {  	_ =	shalt  }
0x52: {  	_ =	shalt  }
0x53: {  	_ =	shalt  }
0x54: {  	_ =	shalt  }
0x55: {  	_ =	shalt  }
0x56: {  	_ =	shalt  }
0x57: {  	_ =	shalt  }
0x58: {  	_ =	shalt  }
0x59: {  	_ =	shalt  }
0x5a: {  	_ =	shalt  }
0x5b: {  	_ =	shalt  }
0x5c: {  	_ =	shalt  }
0x5d: {  	_ =	shalt  }
0x5e: {  	_ =	shalt  }
0x5f: {  	_ =	shalt  }
0x60: {  	_ =	shalt  }
0x61: {  	_ =	shalt  }
0x62: {  	_ =	shalt  }
0x63: {  	_ =	shalt  }
0x64: {  	_ =	shalt  }
0x65: {  	_ =	shalt  }
0x66: {  	_ =	shalt  }
0x67: {  	_ =	shalt  }
0x68: {  	_ =	shalt  }
0x69: {  	_ =	shalt  }
0x6a: {  	_ =	shalt  }
0x6b: {  	_ =	shalt  }
0x6c: {  	_ =	shalt  }
0x6d: {  	_ =	shalt  }
0x6e: {  	_ =	shalt  }
0x6f: {  	_ =	shalt  }
0x70: {  	_ =	shalt  }
0x71: {  	_ =	shalt  }
0x72: {  	_ =	shalt  }
0x73: {  	_ =	shalt  }
0x74: {  	_ =	shalt  }
0x75: {  	_ =	shalt  }
0x76: {  	_ =	shalt  }
0x77: {  	_ =	shalt  }
0x78: {  	_ =	shalt  }
0x79: {  	_ =	shalt  }
0x7a: {  	_ =	shalt  }
0x7b: {  	_ =	shalt  }
0x7c: {  	_ =	shalt  }
0x7d: {  	_ =	shalt  }
0x7e: {  	_ =	shalt  }
0x7f: {  	_ =	shalt  }
0x80: {  	_ =	shalt  }
0x81: {  	_ =	shalt  }
0x82: {  	_ =	shalt  }
0x83: {  	_ =	shalt  }
0x84: {  	_ =	shalt  }
0x85: {  	_ =	shalt  }
0x86: {  	_ =	shalt  }
0x87: {  	_ =	shalt  }
.Lfunc_end0:
.L_simem_size_0:
called_computation.1_lowered:
.L_overlay_start_0:
0x88: {  	s2 =	sld [smem:$0x3FD9]  }
0x89: {  	s3 =	sld [smem:$0x3FFE];
	_ =	sdelay $0x1  }
0x8a: {  	s1 =	srdreg.scid  }
0x8b: {  	s0 =	sand.u32 $0x1, s1  }
0x8c: {  	s17 =	sshll.u32 s0, $0xA;
	s2 =	sadd.s32 s3, s2  }
0x8d: {  	s2 =	sadd.s32 s2, s17  }
0x8e: {  	[smem:$0x3FC6] =	sst s2  }
0x8f: {  	_ = 	snop  }
0x90: {  	s2 =	sld [smem:$0x3FD0];
	(tm) =	ssettm $0x1  }
0x91: {  	s18 =	sld [smem:$0x3FFB];
	_ =	sdelay $0x3  }
0x92: {  	_ =	strace s18  }
0x93: {  	s3 =	sld [smem:$0x3FFC];
	_ =	sdelay $0x3  }
0x94: {  	_ =	strace s3  }
0x95: {  	s3 =	sld [smem:$0x3FFD];
	_ =	sdelay $0x3  }
0x96: {  	_ =	strace s3  }
0x97: {  	_ =	strace $0x8FFFFFFF  }
0x98: {  	s19 =	sld [smem:$0x3FDB];
	_ =	sdelay $0x1  }
0x99: {  	s4 =	simm.s32 $_scs_section_size  }
0x9a: {  	s5 =	simm.s32 $_size__tile_overlayer_lowered;
	s6 =	simm.s32 $_tile_overlayer_lowered  }
0x9b: {  	s22 =	simm.s32 $0x1BFF;
	s21 =	sshll.u32 s6, $0x1;
	s3 =	sadd.s32 s4, s19  }
0x9c: {  	s7 =	simm.s32 $0x0;
	s20 =	sshll.u32 s5, $0x1;
	s5 =	sadd.s32 s21, s3  }
0x9d: {  	[timem:s7], [sflag:s22] =	dma.local [hbm:s5], s20  }
0x9e: {  	_ =	swait.ge [sflag:s22], s20  }
0x9f: {  	s4 =	ssub.s32 $0x0, s20;
	[sflag:s22] =	ssyncset.done $0x0  }
0xa0: {  	[sflag:s22] =	ssyncadd.s32 s4;
	_ =	sdelay $0x1  }
0xa1: {  	s23 =	simm.s32 $0x1B8B  }
0xa2: {  	_ =	swait.ge [sflag:s23], $0x1  }
0xa3: {  	[sflag:s23] =	ssyncset.done $0x0  }
0xa4: {  	s25 =	simm.s32 $0x1B8E;
	s24 =	sld [smem:$0x3FFE];
	[sflag:s23] =	ssyncadd.s32 $0xFFFFFFFF  }
0xa5: {  	s26 =	simm.s32 $execute0_lowered;
	[smem:$0x3FD2] =	sst s25  }
0xa6: {  	s5 =	sshll.u32 s26, $0x1;
	_ =	strace $0x80000046;
	[dreg:$0x1] =	wrdreg $0xFFFFFFFF  }
0xa7: {  	s28 =	simm.s32 $_size_execute0_lowered;
	s3 =	sadd.s32 s3, s5;
	[dreg:$0x0] =	wrdreg $0x0  }
0xa8: {  	s5 =	sshll.u32 s28, $0x1;
	[dreg:$0x2] =	wrdreg s3  }
0xa9: {  	[dreg:$0x3] =	wrdreg s5  }
0xaa: {  	[dreg:$0x4] =	wrdreg $0xC0  }
0xab: {  	_ =	task [dreg:s7], $0x5FFFF  }
0xac: {  	[dreg:$0x1] =	wrdreg $0xFFFFFFFF  }
0xad: {  	[dreg:$0x0] =	wrdreg $0x60  }
0xae: {  	[dreg:$0x2] =	wrdreg s24  }
0xaf: {  	[dreg:$0x3] =	wrdreg s2  }
0xb0: {  	[dreg:$0x4] =	wrdreg $0x9  }
0xb1: {  	_ =	task.clear_ibuf [dreg:s7], $0x5FFFF;
	_ =	strace $0x90000046  }
0xb2: {  	s29 =	simm.s32 $0x9;
	_ =	strace $0x80000048  }
0xb3: {  	_ =	swait.ge [sflag:s29], $0x1  }
0xb4: {  	[sflag:s29] =	ssyncadd.s32 $0xFFFFFFFF  }
0xb5: {  	_ =	strace $0x90000048  }
0xb6: {  	_ =	sfence  }
0xb7: {  	s30 =	sld [smem:$0x0];
	_ =	sdelay $0x2  }
0xb8: {  	s31 =	sshll.u32 s1, $0xD;
	s1 =	sshrl.u32 s1, $0x2  }
0xb9: {  	s3 =	sand.u32 $0x4000, s31;
	s1 =	sadd.s32 s1, s30  }
0xba: {  	s0 =	sor.u32 s3, s0;
	s1 =	sshll.u32 s1, $0x11  }
0xbb: {  	s0 =	sor.u32 s1, s0  }
0xbc: {  	s0 =	sadd.s32 $0x8F2B, s0  }
0xbd: {  	[sflag:s0] =	ssyncadd.remote.s32 $0x1  }
0xbe: {  	_ =	sfence.sel $0xFFFF  }
0xbf: {  	[dreg:$0x0] =	wrdreg $0xFFFFFFFF;
	(pc) =	sbr.abs _section_cstart, $3  }
0xc0: {  	[dreg:$0x1] =	wrdreg $0xFFFFFFFF  }
0xc1: {  	_ =	task.clear_ibuf [dreg:s7], $0x2FFFF;
	_ =	strace $0x9FFFFFFF  }
0xc2: {  	(tm) =	ssettm $0x7FFFFFFF  }
0xc3: {  	_ =	shalt  }
tec
execute0_lowered:
.L_overlay_start_1:
0x0: {  	(tag) =	ssettag $0x1  }
0x1: {  	s0 =	srdreg.scid  }
0x2: {  	s9 =	stileid.u32;
	s1 =	rddreg [dreg:$0x0]  }
0x3: {  	s4 =	rddreg [dreg:$0x1];
	s14 =	simm.s32 $0x9;
	s15 =	simm.s32 $0x190  }
0x4: {  	s16 =	simm.s32 $0x6400;
	s17 =	simm.s32 $0xC800;
	s18 =	simm.s32 $0x1  }
0x5: {  	s20 =	simm.s32 $0x12C00;
	s21 =	simm.s32 $0x2;
	s28 =	simm.s32 $0x6  }
0x6: {  	s0 =	sand.u32 $0x1, s0;
	s2 =	sshll.u32 s9, $0x1;
	s9 =	smul.u32 $0xC800, s9  }
0x7: {  	s3 =	sor.u32 s0, s2;
	s8 =	ssub.s32 $0x2, s0;
	s0 =	smul.u32 $0x6400, s0  }
0x8: {  	s29 =	simm.s32 $0x7;
	s30 =	simm.s32 $0x8;
	s5 =	smul.u32 $0x6400, s3  }
0x9: {  	s31 =	simm.s32 $0x0;
	s2 =	simm.s32 $0x0;
	s6 =	smul.u32 $0x32000, s3  }
0xa: {  	[smem:$0x7FF] =	sst s2;
	s7 =	smul.u32 $0x190000, s3;
	s3 =	sadd.s32 $0xF42E00, s1  }
0xb: {  	s23 =	sshrl.u32 s8, $0x1;
	_ =	strace $0x80000047;
	s0 =	sadd.s32 s0, s9  }
0xc: {  	s5 =	sshrl.u32 s5, $0x3;
	s7 =	sshrl.u32 s7, $0x3;
	s0 =	sshll.u32 s0, $0x3  }
0xd: {  	s5 =	sadd.s32 s5, s1;
	s1 =	ssub.s32 s8, s23;
	s24 =	sadd.s32 s4, s7  }
0xe: {  	s0 =	sadd.s32 s4, s0;
	s23 =	simm.s32 $0x19000;
	s5 =	sadd.s32 $0xA00, s5  }
0xf: {  	s26 =	sadd.s32 $0x30700, s24;
	s8 =	sadd.s32 $0x31380, s24;
	s9 =	smax.u32 s1, $0x1  }
0x10: {  	s10 =	sadd.s32 $0x2580, s0;
	s11 =	sadd.s32 $0x1900, s0;
	s12 =	sadd.s32 $0x3E80, s0  }
0x11: {  	s13 =	sadd.s32 $0x3200, s0;
	[dreg:$0x3] =	wrdreg s5;
	s5 =	sadd.s32 s4, s6  }
0x12: {  	s24 =	simm.s32 $0x3;
	[dreg:$0x5] =	wrdreg s26;
	s25 =	sadd.s32 $0xC80, s5  }
0x13: {  	s26 =	simm.s32 $0x4;
	[dreg:$0x4] =	wrdreg s25;
	s25 =	simm.s32 $0x5  }
.LBB2_1:
0x14: {  	s0 =	rddreg [dreg:$0x3]  }
0x15: {  	[tilespmem:s2], [sflag:$0x9] =	stream.linear.gather [hbm4b:s0+s2], $0x6400, $0x38;
	[tilespmem:$0x1F400] =	vst v63  }
0x16: {  	_ =	swait.ge [sflag:s14], $0x6400  }
0x17: {  	[sflag:s14] =	ssyncset.done $0x0  }
0x18: {  	[sflag:s14] =	ssyncadd.s32 $0xFFFF9C00  }
0x19: {  	[tilespmem:s16], [sflag:$0x1] =	stream.indirect.gather [hbm4b:s3+s15], $0x40, s2, s15, $0xb8;
	[tilespmem:$0x1F400] =	vst v63  }
0x1a: {  	_ = 	snop  }
0x1b: {  	[tilespmem:s17], [sflag:$0x2] =	stream.indirect.gather [hbm4b:s3+s15], $0x40, s15, s15, $0xb8;
	[tilespmem:$0x1F400] =	vst v63  }
0x1c: {  	_ =	swait.ge [sflag:s18], $0x6400  }
0x1d: {  	[sflag:s18] =	ssyncset.done $0x0  }
0x1e: {  	[sflag:s18] =	ssyncadd.s32 $0xFFFF9C00  }
0x1f: {  	[hbm4b:s5+s2] =	stream.linear.scatter [tilespmem:s16], [sflag:$0x5], $0x6400, $0x38;
	[tilespmem:$0x1F400] =	vst v63  }
0x20: {  	s1 =	simm.s32 $0x320  }
0x21: {  	[tilespmem:s20], [sflag:$0x3] =	stream.indirect.gather [hbm4b:s3+s15], $0x40, s1, s15, $0xb8;
	[tilespmem:$0x1F400] =	vst v63  }
0x22: {  	_ =	swait.ge [sflag:s21], $0x6400  }
0x23: {  	[sflag:s21] =	ssyncset.done $0x0  }
0x24: {  	s4 =	rddreg [dreg:$0x4];
	[sflag:s21] =	ssyncadd.s32 $0xFFFF9C00  }
0x25: {  	[hbm4b:s4+s2] =	stream.linear.scatter [tilespmem:s17], [sflag:$0x6], $0x6400, $0x38;
	[tilespmem:$0x1F400] =	vst v63  }
0x26: {  	s6 =	simm.s32 $0x4B0  }
0x27: {  	[tilespmem:s23], [sflag:$0x4] =	stream.indirect.gather [hbm4b:s3+s15], $0x40, s6, s15, $0xb8;
	[tilespmem:$0x1F400] =	vst v63  }
0x28: {  	_ =	swait.ge [sflag:s24], $0x6400  }
0x29: {  	[sflag:s24] =	ssyncset.done $0x0  }
0x2a: {  	[sflag:s24] =	ssyncadd.s32 $0xFFFF9C00  }
0x2b: {  	[hbm4b:s11+s2] =	stream.linear.scatter [tilespmem:s20], [sflag:$0x7], $0x6400, $0x38;
	[tilespmem:$0x1F400] =	vst v63  }
0x2c: {  	_ =	swait.ge [sflag:s25], $0x6400  }
0x2d: {  	[sflag:s25] =	ssyncset.done $0x0  }
0x2e: {  	s7 =	simm.s32 $0x640;
	[sflag:s25] =	ssyncadd.s32 $0xFFFF9C00  }
0x2f: {  	[tilespmem:s16], [sflag:$0x1] =	stream.indirect.gather [hbm4b:s3+s15], $0x40, s7, s15, $0xb8;
	[tilespmem:$0x1F400] =	vst v63  }
0x30: {  	_ =	swait.ge [sflag:s26], $0x6400  }
0x31: {  	[sflag:s26] =	ssyncset.done $0x0  }
0x32: {  	[sflag:s26] =	ssyncadd.s32 $0xFFFF9C00  }
0x33: {  	[hbm4b:s10+s2] =	stream.linear.scatter [tilespmem:s23], [sflag:$0x8], $0x6400, $0x38;
	[tilespmem:$0x1F400] =	vst v63  }
0x34: {  	_ =	swait.ge [sflag:s28], $0x6400  }
0x35: {  	[sflag:s28] =	ssyncset.done $0x0  }
0x36: {  	s19 =	simm.s32 $0x7D0;
	[sflag:s28] =	ssyncadd.s32 $0xFFFF9C00  }
0x37: {  	[tilespmem:s17], [sflag:$0x2] =	stream.indirect.gather [hbm4b:s3+s15], $0x40, s19, s15, $0xb8;
	[tilespmem:$0x1F400] =	vst v63  }
0x38: {  	_ =	swait.ge [sflag:s18], $0x6400  }
0x39: {  	[sflag:s18] =	ssyncset.done $0x0  }
0x3a: {  	[sflag:s18] =	ssyncadd.s32 $0xFFFF9C00  }
0x3b: {  	[hbm4b:s13+s2] =	stream.linear.scatter [tilespmem:s16], [sflag:$0x5], $0x6400, $0x38;
	[tilespmem:$0x1F400] =	vst v63  }
0x3c: {  	_ =	swait.ge [sflag:s29], $0x6400  }
0x3d: {  	[sflag:s29] =	ssyncset.done $0x0  }
0x3e: {  	s22 =	simm.s32 $0x960;
	[sflag:s29] =	ssyncadd.s32 $0xFFFF9C00  }
0x3f: {  	[tilespmem:s20], [sflag:$0x3] =	stream.indirect.gather [hbm4b:s3+s15], $0x40, s22, s15, $0xb8;
	[tilespmem:$0x1F400] =	vst v63  }
0x40: {  	_ =	swait.ge [sflag:s21], $0x6400  }
0x41: {  	[sflag:s21] =	ssyncset.done $0x0  }
0x42: {  	[sflag:s21] =	ssyncadd.s32 $0xFFFF9C00  }
0x43: {  	[hbm4b:s12+s2] =	stream.linear.scatter [tilespmem:s17], [sflag:$0x6], $0x6400, $0x38;
	[tilespmem:$0x1F400] =	vst v63  }
0x44: {  	s0 =	sadd.s32 $0x3200, s13;
	s1 =	simm.s32 $0x1900;
	_ =	swait.ge [sflag:s30], $0x6400  }
0x45: {  	s4 =	sadd.s32 $0x3200, s10;
	s6 =	simm.s32 $0xAF0;
	[sflag:s30] =	ssyncset.done $0x0  }
0x46: {  	s19 =	sadd.s32 $0x3200, s11;
	s22 =	sadd.s32 $0x3200, s12;
	[sflag:s30] =	ssyncadd.s32 $0xFFFF9C00  }
.LBB2_2:
0x47: {  	[tilespmem:s23], [sflag:$0x4] =	stream.indirect.gather [hbm4b:s3+s15], $0x40, s6, s15, $0xb8;
	[tilespmem:$0x1F400] =	vst v63  }
0x48: {  	s6 =	smov.u32 s1  }
0x49: {  	p0 =	sne.s32 s1, $0x15E00;
	s1 =	sadd.s32 $0x1900, s1;
	_ =	swait.ge [sflag:s24], $0x6400  }
0x4a: {  	[sflag:s24] =	ssyncset.done $0x0  }
0x4b: {  	[sflag:s24] =	ssyncadd.s32 $0xFFFF9C00  }
0x4c: {  	[hbm4b:s19+s2] =	stream.linear.scatter [tilespmem:s20], [sflag:$0x7], $0x6400, $0x38;
	[tilespmem:$0x1F400] =	vst v63  }
0x4d: {  	_ =	swait.ge [sflag:s25], $0x6400  }
0x4e: {  	s6 =	sshra.s32 s6, $0x2;
	[sflag:s25] =	ssyncset.done $0x0  }
0x4f: {  	s7 =	sadd.s32 $0x640, s6;
	[sflag:s25] =	ssyncadd.s32 $0xFFFF9C00  }
0x50: {  	[tilespmem:s16], [sflag:$0x1] =	stream.indirect.gather [hbm4b:s3+s15], $0x40, s7, s15, $0xb8;
	[tilespmem:$0x1F400] =	vst v63  }
0x51: {  	_ =	swait.ge [sflag:s26], $0x6400  }
0x52: {  	[sflag:s26] =	ssyncset.done $0x0  }
0x53: {  	[sflag:s26] =	ssyncadd.s32 $0xFFFF9C00  }
0x54: {  	[hbm4b:s4+s2] =	stream.linear.scatter [tilespmem:s23], [sflag:$0x8], $0x6400, $0x38;
	[tilespmem:$0x1F400] =	vst v63  }
0x55: {  	_ =	swait.ge [sflag:s28], $0x6400  }
0x56: {  	[sflag:s28] =	ssyncset.done $0x0  }
0x57: {  	s7 =	sadd.s32 $0x7D0, s6;
	[sflag:s28] =	ssyncadd.s32 $0xFFFF9C00  }
0x58: {  	[tilespmem:s17], [sflag:$0x2] =	stream.indirect.gather [hbm4b:s3+s15], $0x40, s7, s15, $0xb8;
	[tilespmem:$0x1F400] =	vst v63  }
0x59: {  	_ =	swait.ge [sflag:s18], $0x6400  }
0x5a: {  	[sflag:s18] =	ssyncset.done $0x0  }
0x5b: {  	[sflag:s18] =	ssyncadd.s32 $0xFFFF9C00  }
0x5c: {  	[hbm4b:s0+s2] =	stream.linear.scatter [tilespmem:s16], [sflag:$0x5], $0x6400, $0x38;
	[tilespmem:$0x1F400] =	vst v63  }
0x5d: {  	_ =	swait.ge [sflag:s29], $0x6400  }
0x5e: {  	[sflag:s29] =	ssyncset.done $0x0  }
0x5f: {  	s7 =	sadd.s32 $0x960, s6;
	[sflag:s29] =	ssyncadd.s32 $0xFFFF9C00  }
0x60: {  	[tilespmem:s20], [sflag:$0x3] =	stream.indirect.gather [hbm4b:s3+s15], $0x40, s7, s15, $0xb8;
	[tilespmem:$0x1F400] =	vst v63  }
0x61: {  	_ =	swait.ge [sflag:s21], $0x6400  }
0x62: {  	[sflag:s21] =	ssyncset.done $0x0  }
.Ltmp0:
0x63: {  	[sflag:s21] =	ssyncadd.s32 $0xFFFF9C00;
	(pc) =	sbr.rel @p0 .LBB2_2-.Ltmp0, $4  }
0x64: {  	[hbm4b:s22+s2] =	stream.linear.scatter [tilespmem:s17], [sflag:$0x6], $0x6400, $0x38;
	[tilespmem:$0x1F400] =	vst v63  }
0x65: {  	s0 =	sadd.s32 $0x3200, s0;
	_ =	swait.ge [sflag:s30], $0x6400  }
0x66: {  	s19 =	sadd.s32 $0x3200, s19;
	s22 =	sadd.s32 $0x3200, s22;
	[sflag:s30] =	ssyncset.done $0x0  }
0x67: {  	s4 =	sadd.s32 $0x3200, s4;
	s6 =	sadd.s32 $0xAF0, s6;
	[sflag:s30] =	ssyncadd.s32 $0xFFFF9C00  }
0x68: {  	[tilespmem:s23], [sflag:$0x4] =	stream.indirect.gather [hbm4b:s3+s15], $0x40, s6, s15, $0xb8;
	[tilespmem:$0x1F400] =	vst v63  }
0x69: {  	_ =	swait.ge [sflag:s24], $0x6400  }
0x6a: {  	[sflag:s24] =	ssyncset.done $0x0  }
0x6b: {  	s0 =	rddreg [dreg:$0x5];
	[sflag:s24] =	ssyncadd.s32 $0xFFFF9C00  }
0x6c: {  	[hbm4b:s0+s2] =	stream.linear.scatter [tilespmem:s20], [sflag:$0x7], $0x6400, $0x38;
	[tilespmem:$0x1F400] =	vst v63  }
0x6d: {  	_ =	swait.ge [sflag:s26], $0x6400  }
0x6e: {  	[sflag:s26] =	ssyncset.done $0x0  }
0x6f: {  	[sflag:s26] =	ssyncadd.s32 $0xFFFF9C00  }
0x70: {  	[hbm4b:s8+s2] =	stream.linear.scatter [tilespmem:s23], [sflag:$0x8], $0x6400, $0x38;
	[tilespmem:$0x1F400] =	vst v63  }
0x71: {  	_ =	swait.ge [sflag:s25], $0x6400  }
0x72: {  	[sflag:s25] =	ssyncset.done $0x0  }
0x73: {  	[sflag:s25] =	ssyncadd.s32 $0xFFFF9C00  }
0x74: {  	_ =	swait.ge [sflag:s28], $0x6400  }
0x75: {  	[sflag:s28] =	ssyncset.done $0x0  }
0x76: {  	s31 =	sadd.s32 $0x1, s31;
	[sflag:s28] =	ssyncadd.s32 $0xFFFF9C00  }
0x77: {  	p0 =	sne.s32 s31, s9;
	_ =	swait.ge [sflag:s29], $0x6400  }
.Ltmp1:
0x78: {  	[sflag:s29] =	ssyncset.done $0x0;
	(pc) =	sbr.rel @p0 .LBB2_1-.Ltmp1, $4  }
0x79: {  	[sflag:s29] =	ssyncadd.s32 $0xFFFF9C00  }
0x7a: {  	_ =	swait.ge [sflag:s30], $0x6400  }
0x7b: {  	[sflag:s30] =	ssyncset.done $0x0  }
0x7c: {  	[sflag:s30] =	ssyncadd.s32 $0xFFFF9C00  }
0x7d: {  	_ =	sfence.sel $0x180000  }
0x7e: {  	[bflag:$0x0] =	sbarrier.arrive $0xFFFF  }
0x7f: {  	_ =	strace $0x90000047  }
0x80: {  	s0 =	stileid.u32;
	[bflag:$0x2] =	sbarrier.arrive $0xFFFF  }
0x81: {  	p0 =	sne.s32 s0, $0x0;
	s0 =	rddreg [dreg:$0x2]  }
0x82: {  	s0 =	sadd.s32 @!p0 $0x100000, s0  }
0x83: {  	[sflag:s0] =	ssyncadd.tile.s32 @!p0 $0x1;
	_ =	shalt  }
.Lfunc_end2:
_tile_overlayer_lowered:
.L_overlay_start_2:
0x84: {  	(tag) =	ssettag $0x2  }
0x85: {  	s0 =	rddreg [dreg:$0x0];
	s2 =	stileid.u32  }
0x86: {  	s1 =	rddreg [dreg:$0x1];
	p0 =	sne.s32 s2, $0x0  }
0x87: {  	s3 =	rddreg [dreg:$0x2];
	[bflag:$0x3] =	sbarrier.arrive $0xFFFF;
	s2 =	simm.s32 @!p0 $0x1C09  }
0x88: {  	[timem:s3], [sflag:s2] =	dma.local @!p0 [hbm:s0], s1  }
0x89: {  	s0 =	simm.s32 @!p0 $0x9  }
0x8a: {  	_ =	swait.ge @!p0 [sflag:s0], s1  }
0x8b: {  	s1 =	ssub.s32 @!p0 $0x0, s1;
	[sflag:s0] =	ssyncset.done @!p0 $0x0  }
0x8c: {  	[sflag:s0] =	ssyncadd.s32 @!p0 s1  }
0x8d: {  	[bflag:$0x3] =	sbarrier.arrive $0xFFFF  }
0x8e: {  	_ =	shalt  }

// kernel: sparse-core-data-format-call.cloned.1.call-start
scs
called_computation_lowered:
.L_overlay_start_0:
0x0: {  	s2 =	sld [smem:$0x3FD9]  }
0x1: {  	s3 =	sld [smem:$0x3FFE];
	_ =	sdelay $0x1  }
0x2: {  	s1 =	srdreg.scid  }
0x3: {  	s0 =	sand.u32 $0x1, s1  }
0x4: {  	s18 =	sshll.u32 s0, $0xA;
	s2 =	sadd.s32 s3, s2  }
0x5: {  	s2 =	sadd.s32 s2, s18  }
0x6: {  	[smem:$0x3FC6] =	sst s2  }
0x7: {  	_ = 	snop  }
0x8: {  	s2 =	sld [smem:$0x3FD0];
	(tm) =	ssettm $0x1  }
0x9: {  	s19 =	sld [smem:$0x3FFB];
	_ =	sdelay $0x3  }
0xa: {  	_ =	strace s19  }
0xb: {  	s3 =	sld [smem:$0x3FFC];
	_ =	sdelay $0x3  }
0xc: {  	_ =	strace s3  }
0xd: {  	s3 =	sld [smem:$0x3FFD];
	_ =	sdelay $0x3  }
0xe: {  	_ =	strace s3  }
0xf: {  	_ =	strace $0x8FFFFFFF  }
0x10: {  	s20 =	sld [smem:$0x3FDB];
	_ =	sdelay $0x1  }
0x11: {  	s4 =	simm.s32 $_scs_section_size  }
0x12: {  	s5 =	simm.s32 $_size__tile_overlayer_lowered;
	s6 =	simm.s32 $_tile_overlayer_lowered  }
0x13: {  	s23 =	simm.s32 $0x1BFF;
	s22 =	sshll.u32 s6, $0x1;
	s3 =	sadd.s32 s4, s20  }
0x14: {  	s7 =	simm.s32 $0x0;
	s21 =	sshll.u32 s5, $0x1;
	s5 =	sadd.s32 s22, s3  }
0x15: {  	[timem:s7], [sflag:s23] =	dma.local [hbm:s5], s21  }
0x16: {  	_ =	swait.ge [sflag:s23], s21  }
0x17: {  	s4 =	ssub.s32 $0x0, s21;
	[sflag:s23] =	ssyncset.done $0x0  }
0x18: {  	[sflag:s23] =	ssyncadd.s32 s4;
	_ =	sdelay $0x1  }
0x19: {  	s24 =	simm.s32 $0x1B8B  }
0x1a: {  	_ =	swait.ge [sflag:s24], $0x1  }
0x1b: {  	[sflag:s24] =	ssyncset.done $0x0  }
0x1c: {  	s26 =	simm.s32 $0x1B8E;
	s25 =	sld [smem:$0x3FFE];
	[sflag:s24] =	ssyncadd.s32 $0xFFFFFFFF  }
0x1d: {  	s27 =	simm.s32 $execute0_lowered;
	[smem:$0x3FD2] =	sst s26  }
0x1e: {  	s5 =	sshll.u32 s27, $0x1;
	_ =	strace $0x80000049;
	[dreg:$0x1] =	wrdreg $0xFFFFFFFF  }
0x1f: {  	s28 =	simm.s32 $_size_execute0_lowered;
	s3 =	sadd.s32 s3, s5;
	[dreg:$0x0] =	wrdreg $0x0  }
0x20: {  	s5 =	sshll.u32 s28, $0x1;
	[dreg:$0x2] =	wrdreg s3  }
0x21: {  	[dreg:$0x3] =	wrdreg s5  }
0x22: {  	[dreg:$0x4] =	wrdreg $0xC0  }
0x23: {  	_ =	task [dreg:s7], $0x5FFFF  }
0x24: {  	[dreg:$0x1] =	wrdreg $0xFFFFFFFF  }
0x25: {  	[dreg:$0x0] =	wrdreg $0x60  }
0x26: {  	[dreg:$0x2] =	wrdreg s25  }
0x27: {  	[dreg:$0x3] =	wrdreg s2  }
0x28: {  	[dreg:$0x4] =	wrdreg $0x9  }
0x29: {  	_ =	task.clear_ibuf [dreg:s7], $0x5FFFF;
	_ =	strace $0x90000049  }
0x2a: {  	s29 =	simm.s32 $0x9;
	_ =	strace $0x8000004B  }
0x2b: {  	_ =	swait.ge [sflag:s29], $0x1  }
0x2c: {  	[sflag:s29] =	ssyncadd.s32 $0xFFFFFFFF  }
0x2d: {  	_ =	strace $0x9000004B  }
0x2e: {  	_ =	sfence  }
0x2f: {  	s30 =	sld [smem:$0x0];
	_ =	sdelay $0x2  }
0x30: {  	s31 =	sshll.u32 s1, $0xD;
	s1 =	sshrl.u32 s1, $0x2  }
0x31: {  	s3 =	sand.u32 $0x4000, s31;
	s1 =	sadd.s32 s1, s30  }
0x32: {  	s0 =	sor.u32 s3, s0;
	s1 =	sshll.u32 s1, $0x11  }
0x33: {  	s0 =	sor.u32 s1, s0  }
0x34: {  	s0 =	sadd.s32 $0x8F2B, s0  }
0x35: {  	[sflag:s0] =	ssyncadd.remote.s32 $0x1  }
0x36: {  	_ =	sfence.sel $0xFFFF  }
0x37: {  	[dreg:$0x0] =	wrdreg $0xFFFFFFFF;
	(pc) =	sbr.abs _section_cstart, $3  }
0x38: {  	[dreg:$0x1] =	wrdreg $0xFFFFFFFF  }
0x39: {  	_ =	task.clear_ibuf [dreg:s7], $0x2FFFF;
	_ =	strace $0x9FFFFFFF  }
0x3a: {  	(tm) =	ssettm $0x7FFFFFFF  }
0x3b: {  	_ =	shalt  }
tec
execute0_lowered:
.L_overlay_start_1:
0x0: {  	(tag) =	ssettag $0x1  }
0x1: {  	s0 =	srdreg.scid  }
0x2: {  	s1 =	sshll.u32 s0, $0x4  }
0x3: {  	s0 =	stileid.u32;
	s1 =	sand.u32 $0x10, s1  }
0x4: {  	s1 =	sor.u32 s0, s1  }
0x5: {  	s6 =	rddreg [dreg:$0x0];
	s4 =	simm.s32 $0x1;
	s2 =	sshll.u32 s1, $0x7  }
0x6: {  	s7 =	simm.s32 $0x2;
	s12 =	simm.s32 $0x0;
	s1 =	ssub.s32 $0x1000, s2  }
0x7: {  	s8 =	simm.s32 $0x8000;
	s13 =	simm.s32 $0x0;
	s3 =	sand.u32 $0xF80, s1  }
0x8: {  	s9 =	simm.s32 $0x0;
	s5 =	sshrl.u32 s1, $0xC;
	p0 =	sne.s32 s3, $0x0  }
.Ltmp0:
0x9: {  	s1 =	rddreg [dreg:$0x2];
	s4 =	simm.s32 @!p0 $0x0;
	(pc) =	sbr.rel .LBB1_1-.Ltmp0, $4  }
0xa: {  	s11 =	simm.s32 $0x0;
	s3 =	rddreg [dreg:$0x1];
	s5 =	sadd.s32 s4, s5  }
0xb: {  	_ =	strace $0x8000004A;
	s4 =	simm.s32 $0x1;
	s5 =	smul.u32 $0xC8, s5  }
0xc: {  	s6 =	sadd.s32 $0xA00, s6;
	s10 =	smov.u32 s2;
	[sflag:s4] =	ssyncpa.u1 $0x0  }
0xd: {  	p0 =	por $0x0, $0x0;
	[sflag:s7] =	ssyncpa.u1 $0x0;
	s7 =	sor.u32 $0x1, s5  }
.LBB1_4:
0xe: {  	s16 =	sshll.u32 s13, $0x3;
	s17 =	sand.u32 $0x78, s13  }
0xf: {  	s30 =	sand.u32 $0x7E00, s13;
	s12 =	sshll.u32 s12, $0xF;
	s16 =	sand.u32 $0xC00, s16  }
0x10: {  	[tilespmem:s15+$0x810 ss:$0x81] =	vst.msk $0xffff, v2;
	s31 =	sand.u32 $0x7, s13;
	s16 =	sor.u32 s17, s16;
	s17 =	sadd.s32 s3, s30  }
0x11: {  	[tilespmem:s15+$0x1020 ss:$0x81] =	vst.msk $0xffff, v0;
	s13 =	sshll.u32 s31, $0x12;
	s12 =	sadd.s32 s12, s17;
	s16 =	sshrl.u32 s16, $0x3  }
0x12: {  	[tilespmem:s15+$0x0 ss:$0x81] =	vst.msk $0xffff, v1;
	s13 =	sor.u32 $0x400, s13;
	s12 =	sadd.s32 s16, s12  }
0x13: {  	[hbm4b:s12+s13] =	stream.strided.scatter [tilespmem:s14], [sflag:$0x2], $0x2000, s8, s13, $0x20;
	[tilespmem:$0x8080] =	vst v63  }
.LBB1_5:
0x14: {  	s14 =	sadd.s32 $0x1, s9  }
0x15: {  	s12 =	sadd.s32 $0x1000, s10;
	s16 =	smov.u32 s10;
	p2 =	sgt.s32 s14, $0xC7  }
0x16: {  	s16 =	smov.u32 @p2 s12  }
0x17: {  	s14 =	simm.s32 @p2 $0x0;
	p2 =	sgt.s32 s16, $0xFFF  }
0x18: {  	s16 =	smov.u32 @p2 s2;
	p2 =	sne.s32 s11, s7  }
.Ltmp1:
0x19: {  	p1 =	slt.u32 s11, $0x2;
	(pc) =	sbr.rel @!p2 .LBB1_6-.Ltmp1, $4  }
0x1a: {  	s15 =	simm.s32 @!p1 $0x2  }
0x1b: {  	s13 =	smov.u32 s10;
	p0 =	por !p0, !p0;
	_ =	swait.ge @!p1 [sflag:s15], $0x2000  }
0x1c: {  	s12 =	smov.u32 s9;
	[sflag:s15] =	ssyncset.done @!p1 $0x0;
	s9 =	smov.u32 s14  }
0x1d: {  	s11 =	sadd.s32 $0x1, s11;
	[sflag:s15] =	ssyncadd.s32 @!p1 $0xFFFFE000;
	s10 =	smov.u32 s16  }
.LBB1_1:
0x1e: {  	p1 =	sge.u32 s11, s5  }
0x1f: {  	s14 =	sand.u32 @!p1 $0x1FFFFFF, s9  }
0x20: {  	s15 =	smulhi.u32 @!p1 $0x147AE15, s14;
	_ =	sdelay $0x1  }
0x21: {  	s15 =	smul.u32 @!p1 $0xC8, s15  }
0x22: {  	s16 =	sxor.u32 @!p1 $0xFFFFFFFF, s11;
	s17 =	smul.u32 @!p1 $0xC80, s10  }
0x23: {  	s31 =	sadd.s32 $0xFFFFFFFF, s11;
	s16 =	sshll.u32 @!p1 s16, $0xD;
	s14 =	ssub.s32 @!p1 s14, s15  }
0x24: {  	s15 =	sand.u32 @!p1 $0x2000, s16;
	s16 =	sadd.s32 @!p1 s6, s17;
	s14 =	sshll.u32 @!p1 s14, $0x4  }
0x25: {  	s17 =	simm.s32 @!p1 $0x6400;
	s14 =	sadd.s32 @!p1 s14, s16;
	s16 =	simm.s32 @!p1 $0x40  }
0x26: {  	[tilespmem:s15], [sflag:$0x1] =	stream.strided.gather @!p1 [hbm4b:s14+s16], $0x2000, s17, s16, $0x38;
	[tilespmem:$0x8080] =	vst v63  }
0x27: {  	p1 =	sge.u32 s31, s5  }
.Ltmp2:
0x28: {  	_ = 	snop;
	(pc) =	sbr.rel @p1 .LBB1_5-.Ltmp2, $1  }
0x29: {  	_ =	sdelay $0x3  }
0x2a: {  	s14 =	simm.s32 $0x1  }
0x2b: {  	_ =	swait.ge [sflag:s4], $0x2000;
	s14 =	simm.s32 @!p0 $0x0  }
0x2c: {  	[sflag:s4] =	ssyncset.done $0x0;
	s15 =	sshll.u32 s14, $0xD  }
0x2d: {  	[sflag:s4] =	ssyncadd.s32 $0xFFFFE000;
	s18 =	sor.u32 $0x20, s15  }
0x2e: {  	s14 =	smul.u32 $0x8100, s14;
	v3 =	vld [tilespmem:s18+$0x10]  }
0x2f: {  	s30 =	sand.u32 $0x1, s11;
	v2 =	vld [tilespmem:s18+$0xFFFFFFF0]  }
0x30: {  	s15 =	smul.u32 $0x8100, s30;
	s14 =	sshrl.u32 s14, $0x2;
	v0 =	vld [tilespmem:s18+$0x0]  }
0x31: {  	v1 =	vld [tilespmem:s18+$0xFFFFFFE0];
	s16 =	sor.u32 $0x4000, s14  }
0x32: {  	s31 =	sshrl.u32 s15, $0x2;
	s15 =	sadd.s32 $0x0, s16  }
0x33: {  	s17 =	simm.s32 $0x4;
	s18 =	sadd.s32 $0x40, s18;
	s14 =	sor.u32 $0x4000, s31;
	[tilespmem:s15+$0x1830 ss:$0x81] =	vst.msk $0xffff, v3  }
.LBB1_3:
0x34: {  	v3 =	vld [tilespmem:s18+$0x10];
	p1 =	sne.s32 s17, $0x1FC;
	[tilespmem:s15+$0x810 ss:$0x81] =	vst.msk $0xffff, v2;
	s19 =	smov.u32 s17;
	s17 =	sadd.s32 $0x4, s17  }
.Ltmp3:
0x35: {  	v2 =	vld [tilespmem:s18+$0xFFFFFFF0];
	[tilespmem:s15+$0x1020 ss:$0x81] =	vst.msk $0xffff, v0;
	(pc) =	sbr.rel @p1 .LBB1_3-.Ltmp3, $4  }
0x36: {  	v0 =	vld [tilespmem:s18+$0x0];
	[tilespmem:s15+$0x0 ss:$0x81] =	vst.msk $0xffff, v1  }
0x37: {  	s15 =	sshra.s32 s19, $0x2;
	v1 =	vld [tilespmem:s18+$0xFFFFFFE0]  }
0x38: {  	s15 =	sadd.s32 s15, s16  }
0x39: {  	s18 =	sadd.s32 $0x40, s18;
	[tilespmem:s15+$0x1830 ss:$0x81] =	vst.msk $0xffff, v3  }
.Ltmp4:
0x3a: {  	_ = 	snop;
	(pc) =	sbr.rel .LBB1_4-.Ltmp4, $1  }
0x3b: {  	_ =	sdelay $0x3  }
.LBB1_6:
0x3c: {  	_ =	sfence.sel $0x180000  }
0x3d: {  	s2 =	simm.s32 $0x1;
	[bflag:$0x0] =	sbarrier.arrive $0xFFFF  }
0x3e: {  	s31 =	simm.s32 $0x2;
	[sflag:s2] =	ssyncpa.u1 $0x1  }
0x3f: {  	[sflag:s31] =	ssyncpa.u1 $0x1  }
0x40: {  	p0 =	sne.s32 s0, $0x0;
	_ =	strace $0x9000004A  }
0x41: {  	s0 =	sadd.s32 @!p0 $0x100000, s1;
	[bflag:$0x2] =	sbarrier.arrive $0xFFFF  }
0x42: {  	[sflag:s0] =	ssyncadd.tile.s32 @!p0 $0x1;
	_ =	shalt  }
.Lfunc_end1:
_tile_overlayer_lowered:
.L_overlay_start_2:
0x43: {  	(tag) =	ssettag $0x2  }
0x44: {  	s0 =	rddreg [dreg:$0x0];
	s2 =	stileid.u32  }
0x45: {  	s1 =	rddreg [dreg:$0x1];
	p0 =	sne.s32 s2, $0x0  }
0x46: {  	s3 =	rddreg [dreg:$0x2];
	[bflag:$0x3] =	sbarrier.arrive $0xFFFF;
	s2 =	simm.s32 @!p0 $0x1C01  }
0x47: {  	[timem:s3], [sflag:s2] =	dma.local @!p0 [hbm:s0], s1  }
0x48: {  	s0 =	simm.s32 @!p0 $0x1  }
0x49: {  	_ =	swait.ge @!p0 [sflag:s0], s1  }
0x4a: {  	s1 =	ssub.s32 @!p0 $0x0, s1;
	[sflag:s0] =	ssyncset.done @!p0 $0x0  }
0x4b: {  	[sflag:s0] =	ssyncadd.s32 @!p0 s1  }
0x4c: {  	[bflag:$0x3] =	sbarrier.arrive $0xFFFF  }
0x4d: {  	_ =	shalt  }

</sc_bundles>
